<compile_context>
chip_gen: v7x
topology: tpu7x:2x2x1
jax: 0.10.2.dev20260603
libtpu: 0.0.44.dev20260713+nightly
codegen_flags: <defaults>
</compile_context>

<pallas_src>
import functools

import jax
import jax.numpy as jnp
from jax import lax
from jax.experimental import pallas as pl
from jax.experimental.pallas import tpu as pltpu
from jax.experimental.pallas import tpu_sc as plsc

B = 16384
L = 200
VOCAB = 1000
D = 64
KP = 1024
KPW = KP // 4

NC = 2
NS = 16
NW = NC * NS
ROWS_PER_W = B // NW
CHUNK = 32
NCHUNKS = ROWS_PER_W // CHUNK
NPAIR = NCHUNKS // 2

_mesh = plsc.VectorSubcoreMesh(core_axis_name="c", subcore_axis_name="s")


@functools.partial(
    pl.kernel,
    mesh=_mesh,
    out_type=jax.ShapeDtypeStruct((B, KPW), jnp.int32),
    scratch_types=[
        pltpu.VMEM((2, CHUNK, L), jnp.int32),
        pltpu.VMEM((2, CHUNK, KPW), jnp.int32),
        pltpu.VMEM_SHARED((CHUNK, KPW), jnp.int32),
        pltpu.SemaphoreType.DMA,
        pltpu.SemaphoreType.DMA,
        pltpu.SemaphoreType.DMA,
        pltpu.SemaphoreType.DMA,
        pltpu.SemaphoreType.DMA,
        pltpu.SemaphoreType.DMA,
    ],
    compiler_params=pltpu.CompilerParams(needs_layout_passes=False),
)
def _hist(idx_hbm, cnt_hbm, idx_v, cnt_v, zshared,
          osem0, osem1, zsem0, zsem1, isem0, isem1):
    wid = lax.axis_index("s") * NC + lax.axis_index("c")
    row_base_w = wid * ROWS_PER_W
    zero16 = jnp.zeros((16,), jnp.int32)
    elig = lax.iota(jnp.int32, 16) >= 8
    osems = (osem0, osem1)
    zsems = (zsem0, zsem1)
    isems = (isem0, isem1)

    _OFFS = tuple(s * 16 for s in range(L // 16)) + (L - 16,)

    def scatter_chunk(b):
        bvec = jnp.full((16,), b, jnp.int32)

        one = jnp.full((16,), 1, jnp.int32)

        def row_body(r, carry2):
            rvec = jnp.full((16,), 0, jnp.int32) + r
            for off in _OFFS[:-1]:
                ivec = idx_v[b, r, pl.ds(off, 16)]
                wvec = lax.shift_right_logical(ivec, 2)
                bval = one << ((ivec & 3) << 3)
                plsc.addupdate_scatter(cnt_v, [bvec, rvec, wvec], bval)
            ivec = idx_v[b, r, pl.ds(_OFFS[-1], 16)]
            wvec = lax.shift_right_logical(ivec, 2)
            bval = one << ((ivec & 3) << 3)
            plsc.addupdate_scatter(cnt_v, [bvec, rvec, wvec], bval,
                                   mask=elig)
            return carry2

        lax.fori_loop(0, CHUNK, row_body, 0)

    def start_idx(ci, b):
        cic = jnp.minimum(ci, NCHUNKS - 1)
        base = row_base_w + cic * CHUNK
        pltpu.async_copy(idx_hbm.at[pl.ds(base, CHUNK)], idx_v.at[b],
                         isems[b])

    def wait_idx(ci, b):
        cic = jnp.minimum(ci, NCHUNKS - 1)
        base = row_base_w + cic * CHUNK
        pltpu.make_async_copy(idx_hbm.at[pl.ds(base, CHUNK)], idx_v.at[b],
                              isems[b]).wait()

    def start_zero(b):
        pltpu.async_copy(zshared, cnt_v.at[b], zsems[b])

    def wait_zero(b):
        pltpu.make_async_copy(zshared, cnt_v.at[b], zsems[b]).wait()

    def start_out(ci, b):
        base = row_base_w + ci * CHUNK
        pltpu.async_copy(cnt_v.at[b], cnt_hbm.at[pl.ds(base, CHUNK)],
                         osems[b])

    def wait_out(ci, b):
        base = row_base_w + ci * CHUNK
        pltpu.make_async_copy(cnt_v.at[b],
                              cnt_hbm.at[pl.ds(base, CHUNK)],
                              osems[b]).wait()

    def clear_body(i, c):
        for v in range(KPW // 16):
            cnt_v[0, i, pl.ds(v * 16, 16)] = zero16
        return c

    lax.fori_loop(0, CHUNK, clear_body, 0)

    @pl.when(lax.axis_index("s") == 0)
    def _publish():
        pltpu.sync_copy(cnt_v.at[0], zshared)

    plsc.subcore_barrier()
    start_zero(1)
    start_idx(0, 0)
    start_idx(1, 1)

    wait_idx(0, 0)
    scatter_chunk(0)
    start_out(0, 0)
    start_idx(2, 0)
    wait_zero(1)
    wait_idx(1, 1)
    scatter_chunk(1)
    start_out(1, 1)
    start_idx(3, 1)

    def pair_body(g, carry):
        for b in range(2):
            ci = g * 2 + b
            wait_out(ci - 2, b)
            start_zero(b)
        for b in range(2):
            ci = g * 2 + b
            wait_zero(b)
            wait_idx(ci, b)
            scatter_chunk(b)
            start_out(ci, b)
            start_idx(ci + 2, b)
        return carry

    lax.fori_loop(1, NPAIR, pair_body, 0)
    for b in range(2):
        wait_out(NCHUNKS - 2 + b, b)


TM = 2048


def _mm_body(c_ref, t_ref, o_ref):
    c = c_ref[...]
    acc = jnp.zeros(o_ref.shape, jnp.float32)
    for k in range(4):
        bk = ((c >> (8 * k)) & 0xFF).astype(jnp.bfloat16)
        acc += jnp.dot(bk, t_ref[k * KPW:(k + 1) * KPW, :],
                       preferred_element_type=jnp.float32)
    o_ref[...] = acc


_mm = pl.pallas_call(
    _mm_body,
    grid=(B // TM,),
    in_specs=[
        pl.BlockSpec((TM, KPW), lambda i: (i, 0)),
        pl.BlockSpec((KP, D), lambda i: (0, 0)),
    ],
    out_specs=pl.BlockSpec((TM, D), lambda i: (i, 0)),
    out_shape=jax.ShapeDtypeStruct((B, D), jnp.float32),
)


def kernel(indices, table):
    counts = _hist(indices)
    tab_pad = jnp.zeros((KP, D), jnp.float32).at[:VOCAB].set(table)
    tab_perm = jnp.concatenate(
        [tab_pad[k::4] for k in range(4)], axis=0).astype(jnp.bfloat16)
    return _mm(counts, tab_perm)

# --- scband reference (transcript-rebuilt; emitter-appended) ---
"""Pipeline reference for scband-neuro-symbolic-bridge-83545703841854 (READ-ONLY COPY).

The authoritative reference and input builder live on the scoring server;
editing this copy changes nothing except your own understanding.
"""

import jax, jax.numpy as jnp
import numpy as np

B = 16384
L = 200
VOCAB = 1000
EMBED_DIM = 64

def setup_inputs(seed: int = 0) -> dict:
    key = jax.random.key(seed)
    k_idx, k_tab = jax.random.split(key)
    # concept indices to inject: batch of B requests, each with L symbol ids
    indices = jax.random.randint(k_idx, (B, L), 0, VOCAB, dtype=jnp.int64 if jax.config.jax_enable_x64 else jnp.int32)
    # concept_embeddings.weight, init normal std=0.02 (matches nn.init.normal_)
    table = jax.random.normal(k_tab, (VOCAB, EMBED_DIM), dtype=jnp.float32) * 0.02
    return {"indices": indices, "table": table}

def reference(indices, table):
    # Faithful batched version of NeuroSymbolicBridge.inject_symbols:
    #   embeddings = self.concept_embeddings(idx_tensor)   -> gather rows
    #   neural_input = torch.sum(embeddings, dim=0, keepdim=True) -> sum over symbols
    # Here each batch row is one inject_symbols call with L symbol ids.
    emb = jnp.take(table, indices, axis=0)      # (B, L, EMBED_DIM) embedding lookup
    neural_input = jnp.sum(emb, axis=1)         # (B, EMBED_DIM) sum-pool over injected symbols
    return neural_input

if __name__ == "__main__":
    import jax
    _d = setup_inputs()
    print(jax.jit(kernel)(*tuple(_d.values())))

</pallas_src>

<mosaic_0001>
#map = affine_map<(d0, d1) -> (0, 0)>
module attributes {stable_mosaic.version = 14 : i64} {
  func.func @_hist(%arg0: i32, %arg1: i32, %arg2: memref<16384x200xi32, #tpu.memory_space<hbm>>, %arg3: memref<16384x256xi32, #tpu.memory_space<hbm>>, %arg4: memref<2x32x200xi32, #tpu.memory_space<vmem>>, %arg5: memref<2x32x256xi32, #tpu.memory_space<vmem>>, %arg6: memref<32x256xi32, #tpu.memory_space<vmem_shared>>, %arg7: memref<!tpu.dma_semaphore, #tpu.memory_space<semaphore_mem>>, %arg8: memref<!tpu.dma_semaphore, #tpu.memory_space<semaphore_mem>>, %arg9: memref<!tpu.dma_semaphore, #tpu.memory_space<semaphore_mem>>, %arg10: memref<!tpu.dma_semaphore, #tpu.memory_space<semaphore_mem>>, %arg11: memref<!tpu.dma_semaphore, #tpu.memory_space<semaphore_mem>>, %arg12: memref<!tpu.dma_semaphore, #tpu.memory_space<semaphore_mem>>) attributes {dimension_semantics = [#tpu.dimension_semantics<core_parallel>, #tpu.dimension_semantics<subcore_parallel>], iteration_bounds = array<i64: 2, 16>, scalar_prefetch = 0 : i64, scratch_operands = 9 : i64, tpu.core_type = #tpu.core_type<sc_vector_subcore>, window_params = [{transform_indices = #map}, {transform_indices = #map}]} {
    %mul3A = arith.constant 2 : i32
    %mul3A_0 = arith.muli %arg1, %mul3A : i32
    %add3A = arith.addi %mul3A_0, %arg0 : i32
    %mul3A_1 = arith.constant 512 : i32
    %mul3A_2 = arith.muli %add3A, %mul3A_1 : i32
    %broadcast_in_dim3A = arith.constant 0 : i32
    %broadcast_in_dim3A_3 = vector.broadcast %broadcast_in_dim3A : i32 to vector<16xi32>
    %iota3A = tpu.iota {dimensions = array<i32: 0>} : vector<16xi32>
    %ge3A = arith.constant 8 : i32
    %ge3A_4 = vector.broadcast %ge3A : i32 to vector<16xi32>
    %ge3A_5 = arith.cmpi sge, %iota3A, %ge3A_4 : vector<16xi32>
    %scan3A = arith.constant 0 : i32
    %scan3A_6 = arith.constant 0 : i32
    %scan3A_7 = arith.constant 32 : i32
    %scan3A_8 = arith.addi %scan3A_6, %scan3A_7 : i32
    %scan3A_9 = arith.constant 1 : i32
    scf.for %scan3A_228 = %scan3A_6 to %scan3A_8 step %scan3A_9  : i32 {
      %swap3A = arith.constant 0 : i32
      %swap3A_229 = arith.index_cast %swap3A : i32 to index
      %swap3A_230 = arith.index_cast %scan3A_228 : i32 to index
      %swap3A_231 = arith.constant 0 : index
      %swap3A_232 = tpu.vector_load %arg5[%swap3A_229, %swap3A_230, %swap3A_231] {strides = array<i32>} : memref<2x32x256xi32, #tpu.memory_space<vmem>>, vector<16xi32>,
      tpu.vector_store %arg5[%swap3A_229, %swap3A_230, %swap3A_231], %broadcast_in_dim3A_3 {strides = array<i32>} : memref<2x32x256xi32, #tpu.memory_space<vmem>>, vector<16xi32>,
      %swap3A_233 = arith.constant 0 : i32
      %swap3A_234 = arith.index_cast %swap3A_233 : i32 to index
      %swap3A_235 = arith.index_cast %scan3A_228 : i32 to index
      %swap3A_236 = arith.constant 16 : index
      %swap3A_237 = tpu.vector_load %arg5[%swap3A_234, %swap3A_235, %swap3A_236] {strides = array<i32>} : memref<2x32x256xi32, #tpu.memory_space<vmem>>, vector<16xi32>,
      tpu.vector_store %arg5[%swap3A_234, %swap3A_235, %swap3A_236], %broadcast_in_dim3A_3 {strides = array<i32>} : memref<2x32x256xi32, #tpu.memory_space<vmem>>, vector<16xi32>,
      %swap3A_238 = arith.constant 0 : i32
      %swap3A_239 = arith.index_cast %swap3A_238 : i32 to index
      %swap3A_240 = arith.index_cast %scan3A_228 : i32 to index
      %swap3A_241 = arith.constant 32 : index
      %swap3A_242 = tpu.vector_load %arg5[%swap3A_239, %swap3A_240, %swap3A_241] {strides = array<i32>} : memref<2x32x256xi32, #tpu.memory_space<vmem>>, vector<16xi32>,
      tpu.vector_store %arg5[%swap3A_239, %swap3A_240, %swap3A_241], %broadcast_in_dim3A_3 {strides = array<i32>} : memref<2x32x256xi32, #tpu.memory_space<vmem>>, vector<16xi32>,
      %swap3A_243 = arith.constant 0 : i32
      %swap3A_244 = arith.index_cast %swap3A_243 : i32 to index
      %swap3A_245 = arith.index_cast %scan3A_228 : i32 to index
      %swap3A_246 = arith.constant 48 : index
      %swap3A_247 = tpu.vector_load %arg5[%swap3A_244, %swap3A_245, %swap3A_246] {strides = array<i32>} : memref<2x32x256xi32, #tpu.memory_space<vmem>>, vector<16xi32>,
      tpu.vector_store %arg5[%swap3A_244, %swap3A_245, %swap3A_246], %broadcast_in_dim3A_3 {strides = array<i32>} : memref<2x32x256xi32, #tpu.memory_space<vmem>>, vector<16xi32>,
      %swap3A_248 = arith.constant 0 : i32
      %swap3A_249 = arith.index_cast %swap3A_248 : i32 to index
      %swap3A_250 = arith.index_cast %scan3A_228 : i32 to index
      %swap3A_251 = arith.constant 64 : index
      %swap3A_252 = tpu.vector_load %arg5[%swap3A_249, %swap3A_250, %swap3A_251] {strides = array<i32>} : memref<2x32x256xi32, #tpu.memory_space<vmem>>, vector<16xi32>,
      tpu.vector_store %arg5[%swap3A_249, %swap3A_250, %swap3A_251], %broadcast_in_dim3A_3 {strides = array<i32>} : memref<2x32x256xi32, #tpu.memory_space<vmem>>, vector<16xi32>,
      %swap3A_253 = arith.constant 0 : i32
      %swap3A_254 = arith.index_cast %swap3A_253 : i32 to index
      %swap3A_255 = arith.index_cast %scan3A_228 : i32 to index
      %swap3A_256 = arith.constant 80 : index
      %swap3A_257 = tpu.vector_load %arg5[%swap3A_254, %swap3A_255, %swap3A_256] {strides = array<i32>} : memref<2x32x256xi32, #tpu.memory_space<vmem>>, vector<16xi32>,
      tpu.vector_store %arg5[%swap3A_254, %swap3A_255, %swap3A_256], %broadcast_in_dim3A_3 {strides = array<i32>} : memref<2x32x256xi32, #tpu.memory_space<vmem>>, vector<16xi32>,
      %swap3A_258 = arith.constant 0 : i32
      %swap3A_259 = arith.index_cast %swap3A_258 : i32 to index
      %swap3A_260 = arith.index_cast %scan3A_228 : i32 to index
      %swap3A_261 = arith.constant 96 : index
      %swap3A_262 = tpu.vector_load %arg5[%swap3A_259, %swap3A_260, %swap3A_261] {strides = array<i32>} : memref<2x32x256xi32, #tpu.memory_space<vmem>>, vector<16xi32>,
      tpu.vector_store %arg5[%swap3A_259, %swap3A_260, %swap3A_261], %broadcast_in_dim3A_3 {strides = array<i32>} : memref<2x32x256xi32, #tpu.memory_space<vmem>>, vector<16xi32>,
      %swap3A_263 = arith.constant 0 : i32
      %swap3A_264 = arith.index_cast %swap3A_263 : i32 to index
      %swap3A_265 = arith.index_cast %scan3A_228 : i32 to index
      %swap3A_266 = arith.constant 112 : index
      %swap3A_267 = tpu.vector_load %arg5[%swap3A_264, %swap3A_265, %swap3A_266] {strides = array<i32>} : memref<2x32x256xi32, #tpu.memory_space<vmem>>, vector<16xi32>,
      tpu.vector_store %arg5[%swap3A_264, %swap3A_265, %swap3A_266], %broadcast_in_dim3A_3 {strides = array<i32>} : memref<2x32x256xi32, #tpu.memory_space<vmem>>, vector<16xi32>,
      %swap3A_268 = arith.constant 0 : i32
      %swap3A_269 = arith.index_cast %swap3A_268 : i32 to index
      %swap3A_270 = arith.index_cast %scan3A_228 : i32 to index
      %swap3A_271 = arith.constant 128 : index
      %swap3A_272 = tpu.vector_load %arg5[%swap3A_269, %swap3A_270, %swap3A_271] {strides = array<i32>} : memref<2x32x256xi32, #tpu.memory_space<vmem>>, vector<16xi32>,
      tpu.vector_store %arg5[%swap3A_269, %swap3A_270, %swap3A_271], %broadcast_in_dim3A_3 {strides = array<i32>} : memref<2x32x256xi32, #tpu.memory_space<vmem>>, vector<16xi32>,
      %swap3A_273 = arith.constant 0 : i32
      %swap3A_274 = arith.index_cast %swap3A_273 : i32 to index
      %swap3A_275 = arith.index_cast %scan3A_228 : i32 to index
      %swap3A_276 = arith.constant 144 : index
      %swap3A_277 = tpu.vector_load %arg5[%swap3A_274, %swap3A_275, %swap3A_276] {strides = array<i32>} : memref<2x32x256xi32, #tpu.memory_space<vmem>>, vector<16xi32>,
      tpu.vector_store %arg5[%swap3A_274, %swap3A_275, %swap3A_276], %broadcast_in_dim3A_3 {strides = array<i32>} : memref<2x32x256xi32, #tpu.memory_space<vmem>>, vector<16xi32>,
      %swap3A_278 = arith.constant 0 : i32
      %swap3A_279 = arith.index_cast %swap3A_278 : i32 to index
      %swap3A_280 = arith.index_cast %scan3A_228 : i32 to index
      %swap3A_281 = arith.constant 160 : index
      %swap3A_282 = tpu.vector_load %arg5[%swap3A_279, %swap3A_280, %swap3A_281] {strides = array<i32>} : memref<2x32x256xi32, #tpu.memory_space<vmem>>, vector<16xi32>,
      tpu.vector_store %arg5[%swap3A_279, %swap3A_280, %swap3A_281], %broadcast_in_dim3A_3 {strides = array<i32>} : memref<2x32x256xi32, #tpu.memory_space<vmem>>, vector<16xi32>,
      %swap3A_283 = arith.constant 0 : i32
      %swap3A_284 = arith.index_cast %swap3A_283 : i32 to index
      %swap3A_285 = arith.index_cast %scan3A_228 : i32 to index
      %swap3A_286 = arith.constant 176 : index
      %swap3A_287 = tpu.vector_load %arg5[%swap3A_284, %swap3A_285, %swap3A_286] {strides = array<i32>} : memref<2x32x256xi32, #tpu.memory_space<vmem>>, vector<16xi32>,
      tpu.vector_store %arg5[%swap3A_284, %swap3A_285, %swap3A_286], %broadcast_in_dim3A_3 {strides = array<i32>} : memref<2x32x256xi32, #tpu.memory_space<vmem>>, vector<16xi32>,
      %swap3A_288 = arith.constant 0 : i32
      %swap3A_289 = arith.index_cast %swap3A_288 : i32 to index
      %swap3A_290 = arith.index_cast %scan3A_228 : i32 to index
      %swap3A_291 = arith.constant 192 : index
      %swap3A_292 = tpu.vector_load %arg5[%swap3A_289, %swap3A_290, %swap3A_291] {strides = array<i32>} : memref<2x32x256xi32, #tpu.memory_space<vmem>>, vector<16xi32>,
      tpu.vector_store %arg5[%swap3A_289, %swap3A_290, %swap3A_291], %broadcast_in_dim3A_3 {strides = array<i32>} : memref<2x32x256xi32, #tpu.memory_space<vmem>>, vector<16xi32>,
      %swap3A_293 = arith.constant 0 : i32
      %swap3A_294 = arith.index_cast %swap3A_293 : i32 to index
      %swap3A_295 = arith.index_cast %scan3A_228 : i32 to index
      %swap3A_296 = arith.constant 208 : index
      %swap3A_297 = tpu.vector_load %arg5[%swap3A_294, %swap3A_295, %swap3A_296] {strides = array<i32>} : memref<2x32x256xi32, #tpu.memory_space<vmem>>, vector<16xi32>,
      tpu.vector_store %arg5[%swap3A_294, %swap3A_295, %swap3A_296], %broadcast_in_dim3A_3 {strides = array<i32>} : memref<2x32x256xi32, #tpu.memory_space<vmem>>, vector<16xi32>,
      %swap3A_298 = arith.constant 0 : i32
      %swap3A_299 = arith.index_cast %swap3A_298 : i32 to index
      %swap3A_300 = arith.index_cast %scan3A_228 : i32 to index
      %swap3A_301 = arith.constant 224 : index
      %swap3A_302 = tpu.vector_load %arg5[%swap3A_299, %swap3A_300, %swap3A_301] {strides = array<i32>} : memref<2x32x256xi32, #tpu.memory_space<vmem>>, vector<16xi32>,
      tpu.vector_store %arg5[%swap3A_299, %swap3A_300, %swap3A_301], %broadcast_in_dim3A_3 {strides = array<i32>} : memref<2x32x256xi32, #tpu.memory_space<vmem>>, vector<16xi32>,
      %swap3A_303 = arith.constant 0 : i32
      %swap3A_304 = arith.index_cast %swap3A_303 : i32 to index
      %swap3A_305 = arith.index_cast %scan3A_228 : i32 to index
      %swap3A_306 = arith.constant 240 : index
      %swap3A_307 = tpu.vector_load %arg5[%swap3A_304, %swap3A_305, %swap3A_306] {strides = array<i32>} : memref<2x32x256xi32, #tpu.memory_space<vmem>>, vector<16xi32>,
      tpu.vector_store %arg5[%swap3A_304, %swap3A_305, %swap3A_306], %broadcast_in_dim3A_3 {strides = array<i32>} : memref<2x32x256xi32, #tpu.memory_space<vmem>>, vector<16xi32>,
    }
    %scan3A_10 = arith.constant 32 : i32
    %eq3A = arith.constant 0 : i32
    %eq3A_11 = arith.cmpi eq, %arg1, %eq3A : i32
    %convert_element_type3A = arith.extui %eq3A_11 : i1 to i32
    %cond3A = arith.constant 0 : i32
    %cond3A_12 = arith.cmpi ne, %convert_element_type3A, %cond3A : i32
    scf.if %cond3A_12 {
      %run_scoped3A = arith.constant 0 : i32
      "tpu.region"() ({
        %run_scoped3A_228 = tpu.sem_alloc : memref<!tpu.dma_semaphore, #tpu.memory_space<semaphore_mem>>
        %dma_start3A_229 = arith.constant 0 : i32
        %dma_start3A_230 = arith.constant 0 : i32
        %dma_start3A_231 = tpu.memref_slice %arg5[%run_scoped3A, %dma_start3A_229, %dma_start3A_230] : memref<2x32x256xi32, #tpu.memory_space<vmem>> -> memref<1x32x256xi32, #tpu.memory_space<vmem>>
        %dma_start3A_232 = tpu.memref_squeeze %dma_start3A_231 : memref<1x32x256xi32, #tpu.memory_space<vmem>> -> memref<32x256xi32, #tpu.memory_space<vmem>>
        %dma_start3A_233 = arith.constant 0 : i32
        %dma_start3A_234 = arith.constant 0 : i32
        %dma_start3A_235 = tpu.memref_slice %arg5[%run_scoped3A, %dma_start3A_233, %dma_start3A_234] : memref<2x32x256xi32, #tpu.memory_space<vmem>> -> memref<1x32x256xi32, #tpu.memory_space<vmem>>
        %dma_start3A_236 = tpu.memref_squeeze %dma_start3A_235 : memref<1x32x256xi32, #tpu.memory_space<vmem>> -> memref<32x256xi32, #tpu.memory_space<vmem>>
        tpu.enqueue_dma source(%dma_start3A_236 : memref<32x256xi32, #tpu.memory_space<vmem>>) target(%arg6 : memref<32x256xi32, #tpu.memory_space<vmem_shared>>) target_semaphore(%run_scoped3A_228 : memref<!tpu.dma_semaphore, #tpu.memory_space<semaphore_mem>>)
        %dma_wait3A_237 = arith.constant 0 : i32
        %dma_wait3A_238 = arith.constant 0 : i32
        %dma_wait3A_239 = tpu.memref_slice %arg5[%run_scoped3A, %dma_wait3A_237, %dma_wait3A_238] : memref<2x32x256xi32, #tpu.memory_space<vmem>> -> memref<1x32x256xi32, #tpu.memory_space<vmem>>
        %dma_wait3A_240 = tpu.memref_squeeze %dma_wait3A_239 : memref<1x32x256xi32, #tpu.memory_space<vmem>> -> memref<32x256xi32, #tpu.memory_space<vmem>>
        %dma_wait3A_241 = arith.constant 0 : i32
        %dma_wait3A_242 = arith.constant 0 : i32
        %dma_wait3A_243 = tpu.memref_slice %arg5[%run_scoped3A, %dma_wait3A_241, %dma_wait3A_242] : memref<2x32x256xi32, #tpu.memory_space<vmem>> -> memref<1x32x256xi32, #tpu.memory_space<vmem>>
        %dma_wait3A_244 = tpu.memref_squeeze %dma_wait3A_243 : memref<1x32x256xi32, #tpu.memory_space<vmem>> -> memref<32x256xi32, #tpu.memory_space<vmem>>
        tpu.wait_dma2 semaphore(%run_scoped3A_228 : memref<!tpu.dma_semaphore, #tpu.memory_space<semaphore_mem>>) src(%dma_wait3A_244 : memref<32x256xi32, #tpu.memory_space<vmem>>) dst(%arg6 : memref<32x256xi32, #tpu.memory_space<vmem_shared>>)
        tpu.yield
      }) : () -> ()
    } else {
    }
    %barrier3A = arith.constant 0 : index
    tpu.barrier barrier_id(%barrier3A)
    %dma_start3A = arith.constant 1 : i32
    %dma_start3A_13 = arith.constant 0 : i32
    %dma_start3A_14 = arith.constant 0 : i32
    %dma_start3A_15 = tpu.memref_slice %arg5[%dma_start3A, %dma_start3A_13, %dma_start3A_14] : memref<2x32x256xi32, #tpu.memory_space<vmem>> -> memref<1x32x256xi32, #tpu.memory_space<vmem>>
    %dma_start3A_16 = tpu.memref_squeeze %dma_start3A_15 : memref<1x32x256xi32, #tpu.memory_space<vmem>> -> memref<32x256xi32, #tpu.memory_space<vmem>>
    %dma_start3A_17 = arith.constant 0 : i32
    %dma_start3A_18 = arith.constant 0 : i32
    %dma_start3A_19 = tpu.memref_slice %arg5[%dma_start3A, %dma_start3A_17, %dma_start3A_18] : memref<2x32x256xi32, #tpu.memory_space<vmem>> -> memref<1x32x256xi32, #tpu.memory_space<vmem>>
    %dma_start3A_20 = tpu.memref_squeeze %dma_start3A_19 : memref<1x32x256xi32, #tpu.memory_space<vmem>> -> memref<32x256xi32, #tpu.memory_space<vmem>>
    tpu.enqueue_dma source(%arg6 : memref<32x256xi32, #tpu.memory_space<vmem_shared>>) target(%dma_start3A_20 : memref<32x256xi32, #tpu.memory_space<vmem>>) target_semaphore(%arg10 : memref<!tpu.dma_semaphore, #tpu.memory_space<semaphore_mem>>)
    %min3A = arith.constant 0 : i32
    %min3A_21 = arith.constant 15 : i32
    %min3A_22 = arith.minsi %min3A, %min3A_21 : i32
    %mul3A_23 = arith.constant 32 : i32
    %mul3A_24 = arith.muli %min3A_22, %mul3A_23 : i32
    %add3A_25 = arith.addi %mul3A_2, %mul3A_24 : i32
    %dma_start3A_26 = arith.constant 0 : i32
    %dma_start3A_27 = arith.constant 0 : i32
    %dma_start3A_28 = arith.constant 0 : i32
    %dma_start3A_29 = tpu.memref_slice %arg4[%dma_start3A_26, %dma_start3A_27, %dma_start3A_28] : memref<2x32x200xi32, #tpu.memory_space<vmem>> -> memref<1x32x200xi32, #tpu.memory_space<vmem>>
    %dma_start3A_30 = tpu.memref_squeeze %dma_start3A_29 : memref<1x32x200xi32, #tpu.memory_space<vmem>> -> memref<32x200xi32, #tpu.memory_space<vmem>>
    %dma_start3A_31 = arith.constant 0 : i32
    %dma_start3A_32 = tpu.memref_slice %arg2[%add3A_25, %dma_start3A_31] : memref<16384x200xi32, #tpu.memory_space<hbm>> -> memref<32x200xi32, #tpu.memory_space<hbm>>
    %dma_start3A_33 = arith.constant 0 : i32
    %dma_start3A_34 = arith.constant 0 : i32
    %dma_start3A_35 = tpu.memref_slice %arg4[%dma_start3A_26, %dma_start3A_33, %dma_start3A_34] : memref<2x32x200xi32, #tpu.memory_space<vmem>> -> memref<1x32x200xi32, #tpu.memory_space<vmem>>
    %dma_start3A_36 = tpu.memref_squeeze %dma_start3A_35 : memref<1x32x200xi32, #tpu.memory_space<vmem>> -> memref<32x200xi32, #tpu.memory_space<vmem>>
    %dma_start3A_37 = arith.constant 0 : i32
    %dma_start3A_38 = tpu.memref_slice %arg2[%add3A_25, %dma_start3A_37] : memref<16384x200xi32, #tpu.memory_space<hbm>> -> memref<32x200xi32, #tpu.memory_space<hbm>>
    tpu.enqueue_dma source(%dma_start3A_38 : memref<32x200xi32, #tpu.memory_space<hbm>>) target(%dma_start3A_36 : memref<32x200xi32, #tpu.memory_space<vmem>>) target_semaphore(%arg11 : memref<!tpu.dma_semaphore, #tpu.memory_space<semaphore_mem>>)
    %min3A_39 = arith.constant 1 : i32
    %min3A_40 = arith.constant 15 : i32
    %min3A_41 = arith.minsi %min3A_39, %min3A_40 : i32
    %mul3A_42 = arith.constant 32 : i32
    %mul3A_43 = arith.muli %min3A_41, %mul3A_42 : i32
    %add3A_44 = arith.addi %mul3A_2, %mul3A_43 : i32
    %dma_start3A_45 = arith.constant 1 : i32
    %dma_start3A_46 = arith.constant 0 : i32
    %dma_start3A_47 = arith.constant 0 : i32
    %dma_start3A_48 = tpu.memref_slice %arg4[%dma_start3A_45, %dma_start3A_46, %dma_start3A_47] : memref<2x32x200xi32, #tpu.memory_space<vmem>> -> memref<1x32x200xi32, #tpu.memory_space<vmem>>
    %dma_start3A_49 = tpu.memref_squeeze %dma_start3A_48 : memref<1x32x200xi32, #tpu.memory_space<vmem>> -> memref<32x200xi32, #tpu.memory_space<vmem>>
    %dma_start3A_50 = arith.constant 0 : i32
    %dma_start3A_51 = tpu.memref_slice %arg2[%add3A_44, %dma_start3A_50] : memref<16384x200xi32, #tpu.memory_space<hbm>> -> memref<32x200xi32, #tpu.memory_space<hbm>>
    %dma_start3A_52 = arith.constant 0 : i32
    %dma_start3A_53 = arith.constant 0 : i32
    %dma_start3A_54 = tpu.memref_slice %arg4[%dma_start3A_45, %dma_start3A_52, %dma_start3A_53] : memref<2x32x200xi32, #tpu.memory_space<vmem>> -> memref<1x32x200xi32, #tpu.memory_space<vmem>>
    %dma_start3A_55 = tpu.memref_squeeze %dma_start3A_54 : memref<1x32x200xi32, #tpu.memory_space<vmem>> -> memref<32x200xi32, #tpu.memory_space<vmem>>
    %dma_start3A_56 = arith.constant 0 : i32
    %dma_start3A_57 = tpu.memref_slice %arg2[%add3A_44, %dma_start3A_56] : memref<16384x200xi32, #tpu.memory_space<hbm>> -> memref<32x200xi32, #tpu.memory_space<hbm>>
    tpu.enqueue_dma source(%dma_start3A_57 : memref<32x200xi32, #tpu.memory_space<hbm>>) target(%dma_start3A_55 : memref<32x200xi32, #tpu.memory_space<vmem>>) target_semaphore(%arg12 : memref<!tpu.dma_semaphore, #tpu.memory_space<semaphore_mem>>)
    %min3A_58 = arith.constant 0 : i32
    %min3A_59 = arith.constant 15 : i32
    %min3A_60 = arith.minsi %min3A_58, %min3A_59 : i32
    %mul3A_61 = arith.constant 32 : i32
    %mul3A_62 = arith.muli %min3A_60, %mul3A_61 : i32
    %add3A_63 = arith.addi %mul3A_2, %mul3A_62 : i32
    %dma_wait3A = arith.constant 0 : i32
    %dma_wait3A_64 = arith.constant 0 : i32
    %dma_wait3A_65 = arith.constant 0 : i32
    %dma_wait3A_66 = tpu.memref_slice %arg4[%dma_wait3A, %dma_wait3A_64, %dma_wait3A_65] : memref<2x32x200xi32, #tpu.memory_space<vmem>> -> memref<1x32x200xi32, #tpu.memory_space<vmem>>
    %dma_wait3A_67 = tpu.memref_squeeze %dma_wait3A_66 : memref<1x32x200xi32, #tpu.memory_space<vmem>> -> memref<32x200xi32, #tpu.memory_space<vmem>>
    %dma_wait3A_68 = arith.constant 0 : i32
    %dma_wait3A_69 = tpu.memref_slice %arg2[%add3A_63, %dma_wait3A_68] : memref<16384x200xi32, #tpu.memory_space<hbm>> -> memref<32x200xi32, #tpu.memory_space<hbm>>
    %dma_wait3A_70 = arith.constant 0 : i32
    %dma_wait3A_71 = arith.constant 0 : i32
    %dma_wait3A_72 = tpu.memref_slice %arg4[%dma_wait3A, %dma_wait3A_70, %dma_wait3A_71] : memref<2x32x200xi32, #tpu.memory_space<vmem>> -> memref<1x32x200xi32, #tpu.memory_space<vmem>>
    %dma_wait3A_73 = tpu.memref_squeeze %dma_wait3A_72 : memref<1x32x200xi32, #tpu.memory_space<vmem>> -> memref<32x200xi32, #tpu.memory_space<vmem>>
    %dma_wait3A_74 = arith.constant 0 : i32
    %dma_wait3A_75 = tpu.memref_slice %arg2[%add3A_63, %dma_wait3A_74] : memref<16384x200xi32, #tpu.memory_space<hbm>> -> memref<32x200xi32, #tpu.memory_space<hbm>>
    tpu.wait_dma2 semaphore(%arg11 : memref<!tpu.dma_semaphore, #tpu.memory_space<semaphore_mem>>) src(%dma_wait3A_75 : memref<32x200xi32, #tpu.memory_space<hbm>>) dst(%dma_wait3A_73 : memref<32x200xi32, #tpu.memory_space<vmem>>)
    %broadcast_in_dim3A_76 = arith.constant 0 : i32
    %broadcast_in_dim3A_77 = vector.broadcast %broadcast_in_dim3A_76 : i32 to vector<16xi32>
    %broadcast_in_dim3A_78 = arith.constant 1 : i32
    %broadcast_in_dim3A_79 = vector.broadcast %broadcast_in_dim3A_78 : i32 to vector<16xi32>
    %scan3A_80 = arith.constant 0 : i32
    %scan3A_81 = arith.constant 0 : i32
    %scan3A_82 = arith.constant 32 : i32
    %scan3A_83 = arith.addi %scan3A_81, %scan3A_82 : i32
    %scan3A_84 = arith.constant 1 : i32
    scf.for %scan3A_228 = %scan3A_81 to %scan3A_83 step %scan3A_84  : i32 {
      %broadcast_in_dim3A_229 = arith.constant 0 : i32
      %broadcast_in_dim3A_230 = vector.broadcast %broadcast_in_dim3A_229 : i32 to vector<16xi32>
      %add3A_231 = vector.broadcast %scan3A_228 : i32 to vector<16xi32>
      %add3A_232 = arith.addi %broadcast_in_dim3A_230, %add3A_231 : vector<16xi32>
      %get3A = arith.constant 0 : i32
      %get3A_233 = arith.index_cast %get3A : i32 to index
      %get3A_234 = arith.index_cast %scan3A_228 : i32 to index
      %get3A_235 = arith.constant 0 : index
      %get3A_236 = tpu.vector_load %arg4[%get3A_233, %get3A_234, %get3A_235] {strides = array<i32>} : memref<2x32x200xi32, #tpu.memory_space<vmem>>, vector<16xi32>,
      %shift_right_logical3A = arith.constant 2 : i32
      %shift_right_logical3A_237 = vector.broadcast %shift_right_logical3A : i32 to vector<16xi32>
      %shift_right_logical3A_238 = arith.shrui %get3A_236, %shift_right_logical3A_237 : vector<16xi32>
      %and3A = arith.constant 3 : i32
      %and3A_239 = vector.broadcast %and3A : i32 to vector<16xi32>
      %and3A_240 = arith.andi %get3A_236, %and3A_239 : vector<16xi32>
      %shift_left3A = arith.constant 3 : i32
      %shift_left3A_241 = vector.broadcast %shift_left3A : i32 to vector<16xi32>
      %shift_left3A_242 = arith.shli %and3A_240, %shift_left3A_241 : vector<16xi32>
      %shift_left3A_243 = arith.shli %broadcast_in_dim3A_79, %shift_left3A_242 : vector<16xi32>
      tpu.vector_store_idx %arg5[%broadcast_in_dim3A_77, %add3A_232, %shift_right_logical3A_238], %shift_left3A_243 {add = true} : memref<2x32x256xi32, #tpu.memory_space<vmem>>[vector<16xi32>, vector<16xi32>, vector<16xi32>], vector<16xi32>,
      %get3A_244 = arith.constant 0 : i32
      %get3A_245 = arith.index_cast %get3A_244 : i32 to index
      %get3A_246 = arith.index_cast %scan3A_228 : i32 to index
      %get3A_247 = arith.constant 16 : index
      %get3A_248 = tpu.vector_load %arg4[%get3A_245, %get3A_246, %get3A_247] {strides = array<i32>} : memref<2x32x200xi32, #tpu.memory_space<vmem>>, vector<16xi32>,
      %shift_right_logical3A_249 = arith.constant 2 : i32
      %shift_right_logical3A_250 = vector.broadcast %shift_right_logical3A_249 : i32 to vector<16xi32>
      %shift_right_logical3A_251 = arith.shrui %get3A_248, %shift_right_logical3A_250 : vector<16xi32>
      %and3A_252 = arith.constant 3 : i32
      %and3A_253 = vector.broadcast %and3A_252 : i32 to vector<16xi32>
      %and3A_254 = arith.andi %get3A_248, %and3A_253 : vector<16xi32>
      %shift_left3A_255 = arith.constant 3 : i32
      %shift_left3A_256 = vector.broadcast %shift_left3A_255 : i32 to vector<16xi32>
      %shift_left3A_257 = arith.shli %and3A_254, %shift_left3A_256 : vector<16xi32>
      %shift_left3A_258 = arith.shli %broadcast_in_dim3A_79, %shift_left3A_257 : vector<16xi32>
      tpu.vector_store_idx %arg5[%broadcast_in_dim3A_77, %add3A_232, %shift_right_logical3A_251], %shift_left3A_258 {add = true} : memref<2x32x256xi32, #tpu.memory_space<vmem>>[vector<16xi32>, vector<16xi32>, vector<16xi32>], vector<16xi32>,
      %get3A_259 = arith.constant 0 : i32
      %get3A_260 = arith.index_cast %get3A_259 : i32 to index
      %get3A_261 = arith.index_cast %scan3A_228 : i32 to index
      %get3A_262 = arith.constant 32 : index
      %get3A_263 = tpu.vector_load %arg4[%get3A_260, %get3A_261, %get3A_262] {strides = array<i32>} : memref<2x32x200xi32, #tpu.memory_space<vmem>>, vector<16xi32>,
      %shift_right_logical3A_264 = arith.constant 2 : i32
      %shift_right_logical3A_265 = vector.broadcast %shift_right_logical3A_264 : i32 to vector<16xi32>
      %shift_right_logical3A_266 = arith.shrui %get3A_263, %shift_right_logical3A_265 : vector<16xi32>
      %and3A_267 = arith.constant 3 : i32
      %and3A_268 = vector.broadcast %and3A_267 : i32 to vector<16xi32>
      %and3A_269 = arith.andi %get3A_263, %and3A_268 : vector<16xi32>
      %shift_left3A_270 = arith.constant 3 : i32
      %shift_left3A_271 = vector.broadcast %shift_left3A_270 : i32 to vector<16xi32>
      %shift_left3A_272 = arith.shli %and3A_269, %shift_left3A_271 : vector<16xi32>
      %shift_left3A_273 = arith.shli %broadcast_in_dim3A_79, %shift_left3A_272 : vector<16xi32>
      tpu.vector_store_idx %arg5[%broadcast_in_dim3A_77, %add3A_232, %shift_right_logical3A_266], %shift_left3A_273 {add = true} : memref<2x32x256xi32, #tpu.memory_space<vmem>>[vector<16xi32>, vector<16xi32>, vector<16xi32>], vector<16xi32>,
      %get3A_274 = arith.constant 0 : i32
      %get3A_275 = arith.index_cast %get3A_274 : i32 to index
      %get3A_276 = arith.index_cast %scan3A_228 : i32 to index
      %get3A_277 = arith.constant 48 : index
      %get3A_278 = tpu.vector_load %arg4[%get3A_275, %get3A_276, %get3A_277] {strides = array<i32>} : memref<2x32x200xi32, #tpu.memory_space<vmem>>, vector<16xi32>,
      %shift_right_logical3A_279 = arith.constant 2 : i32
      %shift_right_logical3A_280 = vector.broadcast %shift_right_logical3A_279 : i32 to vector<16xi32>
      %shift_right_logical3A_281 = arith.shrui %get3A_278, %shift_right_logical3A_280 : vector<16xi32>
      %and3A_282 = arith.constant 3 : i32
      %and3A_283 = vector.broadcast %and3A_282 : i32 to vector<16xi32>
      %and3A_284 = arith.andi %get3A_278, %and3A_283 : vector<16xi32>
      %shift_left3A_285 = arith.constant 3 : i32
      %shift_left3A_286 = vector.broadcast %shift_left3A_285 : i32 to vector<16xi32>
      %shift_left3A_287 = arith.shli %and3A_284, %shift_left3A_286 : vector<16xi32>
      %shift_left3A_288 = arith.shli %broadcast_in_dim3A_79, %shift_left3A_287 : vector<16xi32>
      tpu.vector_store_idx %arg5[%broadcast_in_dim3A_77, %add3A_232, %shift_right_logical3A_281], %shift_left3A_288 {add = true} : memref<2x32x256xi32, #tpu.memory_space<vmem>>[vector<16xi32>, vector<16xi32>, vector<16xi32>], vector<16xi32>,
      %get3A_289 = arith.constant 0 : i32
      %get3A_290 = arith.index_cast %get3A_289 : i32 to index
      %get3A_291 = arith.index_cast %scan3A_228 : i32 to index
      %get3A_292 = arith.constant 64 : index
      %get3A_293 = tpu.vector_load %arg4[%get3A_290, %get3A_291, %get3A_292] {strides = array<i32>} : memref<2x32x200xi32, #tpu.memory_space<vmem>>, vector<16xi32>,
      %shift_right_logical3A_294 = arith.constant 2 : i32
      %shift_right_logical3A_295 = vector.broadcast %shift_right_logical3A_294 : i32 to vector<16xi32>
      %shift_right_logical3A_296 = arith.shrui %get3A_293, %shift_right_logical3A_295 : vector<16xi32>
      %and3A_297 = arith.constant 3 : i32
      %and3A_298 = vector.broadcast %and3A_297 : i32 to vector<16xi32>
      %and3A_299 = arith.andi %get3A_293, %and3A_298 : vector<16xi32>
      %shift_left3A_300 = arith.constant 3 : i32
      %shift_left3A_301 = vector.broadcast %shift_left3A_300 : i32 to vector<16xi32>
      %shift_left3A_302 = arith.shli %and3A_299, %shift_left3A_301 : vector<16xi32>
      %shift_left3A_303 = arith.shli %broadcast_in_dim3A_79, %shift_left3A_302 : vector<16xi32>
      tpu.vector_store_idx %arg5[%broadcast_in_dim3A_77, %add3A_232, %shift_right_logical3A_296], %shift_left3A_303 {add = true} : memref<2x32x256xi32, #tpu.memory_space<vmem>>[vector<16xi32>, vector<16xi32>, vector<16xi32>], vector<16xi32>,
      %get3A_304 = arith.constant 0 : i32
      %get3A_305 = arith.index_cast %get3A_304 : i32 to index
      %get3A_306 = arith.index_cast %scan3A_228 : i32 to index
      %get3A_307 = arith.constant 80 : index
      %get3A_308 = tpu.vector_load %arg4[%get3A_305, %get3A_306, %get3A_307] {strides = array<i32>} : memref<2x32x200xi32, #tpu.memory_space<vmem>>, vector<16xi32>,
      %shift_right_logical3A_309 = arith.constant 2 : i32
      %shift_right_logical3A_310 = vector.broadcast %shift_right_logical3A_309 : i32 to vector<16xi32>
      %shift_right_logical3A_311 = arith.shrui %get3A_308, %shift_right_logical3A_310 : vector<16xi32>
      %and3A_312 = arith.constant 3 : i32
      %and3A_313 = vector.broadcast %and3A_312 : i32 to vector<16xi32>
      %and3A_314 = arith.andi %get3A_308, %and3A_313 : vector<16xi32>
      %shift_left3A_315 = arith.constant 3 : i32
      %shift_left3A_316 = vector.broadcast %shift_left3A_315 : i32 to vector<16xi32>
      %shift_left3A_317 = arith.shli %and3A_314, %shift_left3A_316 : vector<16xi32>
      %shift_left3A_318 = arith.shli %broadcast_in_dim3A_79, %shift_left3A_317 : vector<16xi32>
      tpu.vector_store_idx %arg5[%broadcast_in_dim3A_77, %add3A_232, %shift_right_logical3A_311], %shift_left3A_318 {add = true} : memref<2x32x256xi32, #tpu.memory_space<vmem>>[vector<16xi32>, vector<16xi32>, vector<16xi32>], vector<16xi32>,
      %get3A_319 = arith.constant 0 : i32
      %get3A_320 = arith.index_cast %get3A_319 : i32 to index
      %get3A_321 = arith.index_cast %scan3A_228 : i32 to index
      %get3A_322 = arith.constant 96 : index
      %get3A_323 = tpu.vector_load %arg4[%get3A_320, %get3A_321, %get3A_322] {strides = array<i32>} : memref<2x32x200xi32, #tpu.memory_space<vmem>>, vector<16xi32>,
      %shift_right_logical3A_324 = arith.constant 2 : i32
      %shift_right_logical3A_325 = vector.broadcast %shift_right_logical3A_324 : i32 to vector<16xi32>
      %shift_right_logical3A_326 = arith.shrui %get3A_323, %shift_right_logical3A_325 : vector<16xi32>
      %and3A_327 = arith.constant 3 : i32
      %and3A_328 = vector.broadcast %and3A_327 : i32 to vector<16xi32>
      %and3A_329 = arith.andi %get3A_323, %and3A_328 : vector<16xi32>
      %shift_left3A_330 = arith.constant 3 : i32
      %shift_left3A_331 = vector.broadcast %shift_left3A_330 : i32 to vector<16xi32>
      %shift_left3A_332 = arith.shli %and3A_329, %shift_left3A_331 : vector<16xi32>
      %shift_left3A_333 = arith.shli %broadcast_in_dim3A_79, %shift_left3A_332 : vector<16xi32>
      tpu.vector_store_idx %arg5[%broadcast_in_dim3A_77, %add3A_232, %shift_right_logical3A_326], %shift_left3A_333 {add = true} : memref<2x32x256xi32, #tpu.memory_space<vmem>>[vector<16xi32>, vector<16xi32>, vector<16xi32>], vector<16xi32>,
      %get3A_334 = arith.constant 0 : i32
      %get3A_335 = arith.index_cast %get3A_334 : i32 to index
      %get3A_336 = arith.index_cast %scan3A_228 : i32 to index
      %get3A_337 = arith.constant 112 : index
      %get3A_338 = tpu.vector_load %arg4[%get3A_335, %get3A_336, %get3A_337] {strides = array<i32>} : memref<2x32x200xi32, #tpu.memory_space<vmem>>, vector<16xi32>,
      %shift_right_logical3A_339 = arith.constant 2 : i32
      %shift_right_logical3A_340 = vector.broadcast %shift_right_logical3A_339 : i32 to vector<16xi32>
      %shift_right_logical3A_341 = arith.shrui %get3A_338, %shift_right_logical3A_340 : vector<16xi32>
      %and3A_342 = arith.constant 3 : i32
      %and3A_343 = vector.broadcast %and3A_342 : i32 to vector<16xi32>
      %and3A_344 = arith.andi %get3A_338, %and3A_343 : vector<16xi32>
      %shift_left3A_345 = arith.constant 3 : i32
      %shift_left3A_346 = vector.broadcast %shift_left3A_345 : i32 to vector<16xi32>
      %shift_left3A_347 = arith.shli %and3A_344, %shift_left3A_346 : vector<16xi32>
      %shift_left3A_348 = arith.shli %broadcast_in_dim3A_79, %shift_left3A_347 : vector<16xi32>
      tpu.vector_store_idx %arg5[%broadcast_in_dim3A_77, %add3A_232, %shift_right_logical3A_341], %shift_left3A_348 {add = true} : memref<2x32x256xi32, #tpu.memory_space<vmem>>[vector<16xi32>, vector<16xi32>, vector<16xi32>], vector<16xi32>,
      %get3A_349 = arith.constant 0 : i32
      %get3A_350 = arith.index_cast %get3A_349 : i32 to index
      %get3A_351 = arith.index_cast %scan3A_228 : i32 to index
      %get3A_352 = arith.constant 128 : index
      %get3A_353 = tpu.vector_load %arg4[%get3A_350, %get3A_351, %get3A_352] {strides = array<i32>} : memref<2x32x200xi32, #tpu.memory_space<vmem>>, vector<16xi32>,
      %shift_right_logical3A_354 = arith.constant 2 : i32
      %shift_right_logical3A_355 = vector.broadcast %shift_right_logical3A_354 : i32 to vector<16xi32>
      %shift_right_logical3A_356 = arith.shrui %get3A_353, %shift_right_logical3A_355 : vector<16xi32>
      %and3A_357 = arith.constant 3 : i32
      %and3A_358 = vector.broadcast %and3A_357 : i32 to vector<16xi32>
      %and3A_359 = arith.andi %get3A_353, %and3A_358 : vector<16xi32>
      %shift_left3A_360 = arith.constant 3 : i32
      %shift_left3A_361 = vector.broadcast %shift_left3A_360 : i32 to vector<16xi32>
      %shift_left3A_362 = arith.shli %and3A_359, %shift_left3A_361 : vector<16xi32>
      %shift_left3A_363 = arith.shli %broadcast_in_dim3A_79, %shift_left3A_362 : vector<16xi32>
      tpu.vector_store_idx %arg5[%broadcast_in_dim3A_77, %add3A_232, %shift_right_logical3A_356], %shift_left3A_363 {add = true} : memref<2x32x256xi32, #tpu.memory_space<vmem>>[vector<16xi32>, vector<16xi32>, vector<16xi32>], vector<16xi32>,
      %get3A_364 = arith.constant 0 : i32
      %get3A_365 = arith.index_cast %get3A_364 : i32 to index
      %get3A_366 = arith.index_cast %scan3A_228 : i32 to index
      %get3A_367 = arith.constant 144 : index
      %get3A_368 = tpu.vector_load %arg4[%get3A_365, %get3A_366, %get3A_367] {strides = array<i32>} : memref<2x32x200xi32, #tpu.memory_space<vmem>>, vector<16xi32>,
      %shift_right_logical3A_369 = arith.constant 2 : i32
      %shift_right_logical3A_370 = vector.broadcast %shift_right_logical3A_369 : i32 to vector<16xi32>
      %shift_right_logical3A_371 = arith.shrui %get3A_368, %shift_right_logical3A_370 : vector<16xi32>
      %and3A_372 = arith.constant 3 : i32
      %and3A_373 = vector.broadcast %and3A_372 : i32 to vector<16xi32>
      %and3A_374 = arith.andi %get3A_368, %and3A_373 : vector<16xi32>
      %shift_left3A_375 = arith.constant 3 : i32
      %shift_left3A_376 = vector.broadcast %shift_left3A_375 : i32 to vector<16xi32>
      %shift_left3A_377 = arith.shli %and3A_374, %shift_left3A_376 : vector<16xi32>
      %shift_left3A_378 = arith.shli %broadcast_in_dim3A_79, %shift_left3A_377 : vector<16xi32>
      tpu.vector_store_idx %arg5[%broadcast_in_dim3A_77, %add3A_232, %shift_right_logical3A_371], %shift_left3A_378 {add = true} : memref<2x32x256xi32, #tpu.memory_space<vmem>>[vector<16xi32>, vector<16xi32>, vector<16xi32>], vector<16xi32>,
      %get3A_379 = arith.constant 0 : i32
      %get3A_380 = arith.index_cast %get3A_379 : i32 to index
      %get3A_381 = arith.index_cast %scan3A_228 : i32 to index
      %get3A_382 = arith.constant 160 : index
      %get3A_383 = tpu.vector_load %arg4[%get3A_380, %get3A_381, %get3A_382] {strides = array<i32>} : memref<2x32x200xi32, #tpu.memory_space<vmem>>, vector<16xi32>,
      %shift_right_logical3A_384 = arith.constant 2 : i32
      %shift_right_logical3A_385 = vector.broadcast %shift_right_logical3A_384 : i32 to vector<16xi32>
      %shift_right_logical3A_386 = arith.shrui %get3A_383, %shift_right_logical3A_385 : vector<16xi32>
      %and3A_387 = arith.constant 3 : i32
      %and3A_388 = vector.broadcast %and3A_387 : i32 to vector<16xi32>
      %and3A_389 = arith.andi %get3A_383, %and3A_388 : vector<16xi32>
      %shift_left3A_390 = arith.constant 3 : i32
      %shift_left3A_391 = vector.broadcast %shift_left3A_390 : i32 to vector<16xi32>
      %shift_left3A_392 = arith.shli %and3A_389, %shift_left3A_391 : vector<16xi32>
      %shift_left3A_393 = arith.shli %broadcast_in_dim3A_79, %shift_left3A_392 : vector<16xi32>
      tpu.vector_store_idx %arg5[%broadcast_in_dim3A_77, %add3A_232, %shift_right_logical3A_386], %shift_left3A_393 {add = true} : memref<2x32x256xi32, #tpu.memory_space<vmem>>[vector<16xi32>, vector<16xi32>, vector<16xi32>], vector<16xi32>,
      %get3A_394 = arith.constant 0 : i32
      %get3A_395 = arith.index_cast %get3A_394 : i32 to index
      %get3A_396 = arith.index_cast %scan3A_228 : i32 to index
      %get3A_397 = arith.constant 176 : index
      %get3A_398 = tpu.vector_load %arg4[%get3A_395, %get3A_396, %get3A_397] {strides = array<i32>} : memref<2x32x200xi32, #tpu.memory_space<vmem>>, vector<16xi32>,
      %shift_right_logical3A_399 = arith.constant 2 : i32
      %shift_right_logical3A_400 = vector.broadcast %shift_right_logical3A_399 : i32 to vector<16xi32>
      %shift_right_logical3A_401 = arith.shrui %get3A_398, %shift_right_logical3A_400 : vector<16xi32>
      %and3A_402 = arith.constant 3 : i32
      %and3A_403 = vector.broadcast %and3A_402 : i32 to vector<16xi32>
      %and3A_404 = arith.andi %get3A_398, %and3A_403 : vector<16xi32>
      %shift_left3A_405 = arith.constant 3 : i32
      %shift_left3A_406 = vector.broadcast %shift_left3A_405 : i32 to vector<16xi32>
      %shift_left3A_407 = arith.shli %and3A_404, %shift_left3A_406 : vector<16xi32>
      %shift_left3A_408 = arith.shli %broadcast_in_dim3A_79, %shift_left3A_407 : vector<16xi32>
      tpu.vector_store_idx %arg5[%broadcast_in_dim3A_77, %add3A_232, %shift_right_logical3A_401], %shift_left3A_408 {add = true} : memref<2x32x256xi32, #tpu.memory_space<vmem>>[vector<16xi32>, vector<16xi32>, vector<16xi32>], vector<16xi32>,
      %get3A_409 = arith.constant 0 : i32
      %get3A_410 = arith.index_cast %get3A_409 : i32 to index
      %get3A_411 = arith.index_cast %scan3A_228 : i32 to index
      %get3A_412 = arith.constant 184 : index
      %get3A_413 = tpu.vector_load %arg4[%get3A_410, %get3A_411, %get3A_412] {strides = array<i32>} : memref<2x32x200xi32, #tpu.memory_space<vmem>>, vector<16xi32>,
      %shift_right_logical3A_414 = arith.constant 2 : i32
      %shift_right_logical3A_415 = vector.broadcast %shift_right_logical3A_414 : i32 to vector<16xi32>
      %shift_right_logical3A_416 = arith.shrui %get3A_413, %shift_right_logical3A_415 : vector<16xi32>
      %and3A_417 = arith.constant 3 : i32
      %and3A_418 = vector.broadcast %and3A_417 : i32 to vector<16xi32>
      %and3A_419 = arith.andi %get3A_413, %and3A_418 : vector<16xi32>
      %shift_left3A_420 = arith.constant 3 : i32
      %shift_left3A_421 = vector.broadcast %shift_left3A_420 : i32 to vector<16xi32>
      %shift_left3A_422 = arith.shli %and3A_419, %shift_left3A_421 : vector<16xi32>
      %shift_left3A_423 = arith.shli %broadcast_in_dim3A_79, %shift_left3A_422 : vector<16xi32>
      tpu.vector_store_idx %arg5[%broadcast_in_dim3A_77, %add3A_232, %shift_right_logical3A_416], %shift_left3A_423 masked %ge3A_5 {add = true} : memref<2x32x256xi32, #tpu.memory_space<vmem>>[vector<16xi32>, vector<16xi32>, vector<16xi32>], vector<16xi32>, vector<16xi1>
    }
    %scan3A_85 = arith.constant 32 : i32
    %add3A_86 = arith.constant 0 : i32
    %add3A_87 = arith.addi %mul3A_2, %add3A_86 : i32
    %dma_start3A_88 = arith.constant 0 : i32
    %dma_start3A_89 = arith.constant 0 : i32
    %dma_start3A_90 = arith.constant 0 : i32
    %dma_start3A_91 = tpu.memref_slice %arg5[%dma_start3A_88, %dma_start3A_89, %dma_start3A_90] : memref<2x32x256xi32, #tpu.memory_space<vmem>> -> memref<1x32x256xi32, #tpu.memory_space<vmem>>
    %dma_start3A_92 = tpu.memref_squeeze %dma_start3A_91 : memref<1x32x256xi32, #tpu.memory_space<vmem>> -> memref<32x256xi32, #tpu.memory_space<vmem>>
    %dma_start3A_93 = arith.constant 0 : i32
    %dma_start3A_94 = tpu.memref_slice %arg3[%add3A_87, %dma_start3A_93] : memref<16384x256xi32, #tpu.memory_space<hbm>> -> memref<32x256xi32, #tpu.memory_space<hbm>>
    %dma_start3A_95 = arith.constant 0 : i32
    %dma_start3A_96 = tpu.memref_slice %arg3[%add3A_87, %dma_start3A_95] : memref<16384x256xi32, #tpu.memory_space<hbm>> -> memref<32x256xi32, #tpu.memory_space<hbm>>
    %dma_start3A_97 = arith.constant 0 : i32
    %dma_start3A_98 = arith.constant 0 : i32
    %dma_start3A_99 = tpu.memref_slice %arg5[%dma_start3A_88, %dma_start3A_97, %dma_start3A_98] : memref<2x32x256xi32, #tpu.memory_space<vmem>> -> memref<1x32x256xi32, #tpu.memory_space<vmem>>
    %dma_start3A_100 = tpu.memref_squeeze %dma_start3A_99 : memref<1x32x256xi32, #tpu.memory_space<vmem>> -> memref<32x256xi32, #tpu.memory_space<vmem>>
    tpu.enqueue_dma source(%dma_start3A_100 : memref<32x256xi32, #tpu.memory_space<vmem>>) target(%dma_start3A_96 : memref<32x256xi32, #tpu.memory_space<hbm>>) target_semaphore(%arg7 : memref<!tpu.dma_semaphore, #tpu.memory_space<semaphore_mem>>)
    %min3A_101 = arith.constant 2 : i32
    %min3A_102 = arith.constant 15 : i32
    %min3A_103 = arith.minsi %min3A_101, %min3A_102 : i32
    %mul3A_104 = arith.constant 32 : i32
    %mul3A_105 = arith.muli %min3A_103, %mul3A_104 : i32
    %add3A_106 = arith.addi %mul3A_2, %mul3A_105 : i32
    %dma_start3A_107 = arith.constant 0 : i32
    %dma_start3A_108 = arith.constant 0 : i32
    %dma_start3A_109 = arith.constant 0 : i32
    %dma_start3A_110 = tpu.memref_slice %arg4[%dma_start3A_107, %dma_start3A_108, %dma_start3A_109] : memref<2x32x200xi32, #tpu.memory_space<vmem>> -> memref<1x32x200xi32, #tpu.memory_space<vmem>>
    %dma_start3A_111 = tpu.memref_squeeze %dma_start3A_110 : memref<1x32x200xi32, #tpu.memory_space<vmem>> -> memref<32x200xi32, #tpu.memory_space<vmem>>
    %dma_start3A_112 = arith.constant 0 : i32
    %dma_start3A_113 = tpu.memref_slice %arg2[%add3A_106, %dma_start3A_112] : memref<16384x200xi32, #tpu.memory_space<hbm>> -> memref<32x200xi32, #tpu.memory_space<hbm>>
    %dma_start3A_114 = arith.constant 0 : i32
    %dma_start3A_115 = arith.constant 0 : i32
    %dma_start3A_116 = tpu.memref_slice %arg4[%dma_start3A_107, %dma_start3A_114, %dma_start3A_115] : memref<2x32x200xi32, #tpu.memory_space<vmem>> -> memref<1x32x200xi32, #tpu.memory_space<vmem>>
    %dma_start3A_117 = tpu.memref_squeeze %dma_start3A_116 : memref<1x32x200xi32, #tpu.memory_space<vmem>> -> memref<32x200xi32, #tpu.memory_space<vmem>>
    %dma_start3A_118 = arith.constant 0 : i32
    %dma_start3A_119 = tpu.memref_slice %arg2[%add3A_106, %dma_start3A_118] : memref<16384x200xi32, #tpu.memory_space<hbm>> -> memref<32x200xi32, #tpu.memory_space<hbm>>
    tpu.enqueue_dma source(%dma_start3A_119 : memref<32x200xi32, #tpu.memory_space<hbm>>) target(%dma_start3A_117 : memref<32x200xi32, #tpu.memory_space<vmem>>) target_semaphore(%arg11 : memref<!tpu.dma_semaphore, #tpu.memory_space<semaphore_mem>>)
    %dma_wait3A_120 = arith.constant 1 : i32
    %dma_wait3A_121 = arith.constant 0 : i32
    %dma_wait3A_122 = arith.constant 0 : i32
    %dma_wait3A_123 = tpu.memref_slice %arg5[%dma_wait3A_120, %dma_wait3A_121, %dma_wait3A_122] : memref<2x32x256xi32, #tpu.memory_space<vmem>> -> memref<1x32x256xi32, #tpu.memory_space<vmem>>
    %dma_wait3A_124 = tpu.memref_squeeze %dma_wait3A_123 : memref<1x32x256xi32, #tpu.memory_space<vmem>> -> memref<32x256xi32, #tpu.memory_space<vmem>>
    %dma_wait3A_125 = arith.constant 0 : i32
    %dma_wait3A_126 = arith.constant 0 : i32
    %dma_wait3A_127 = tpu.memref_slice %arg5[%dma_wait3A_120, %dma_wait3A_125, %dma_wait3A_126] : memref<2x32x256xi32, #tpu.memory_space<vmem>> -> memref<1x32x256xi32, #tpu.memory_space<vmem>>
    %dma_wait3A_128 = tpu.memref_squeeze %dma_wait3A_127 : memref<1x32x256xi32, #tpu.memory_space<vmem>> -> memref<32x256xi32, #tpu.memory_space<vmem>>
    tpu.wait_dma2 semaphore(%arg10 : memref<!tpu.dma_semaphore, #tpu.memory_space<semaphore_mem>>) src(%arg6 : memref<32x256xi32, #tpu.memory_space<vmem_shared>>) dst(%dma_wait3A_128 : memref<32x256xi32, #tpu.memory_space<vmem>>)
    %min3A_129 = arith.constant 1 : i32
    %min3A_130 = arith.constant 15 : i32
    %min3A_131 = arith.minsi %min3A_129, %min3A_130 : i32
    %mul3A_132 = arith.constant 32 : i32
    %mul3A_133 = arith.muli %min3A_131, %mul3A_132 : i32
    %add3A_134 = arith.addi %mul3A_2, %mul3A_133 : i32
    %dma_wait3A_135 = arith.constant 1 : i32
    %dma_wait3A_136 = arith.constant 0 : i32
    %dma_wait3A_137 = arith.constant 0 : i32
    %dma_wait3A_138 = tpu.memref_slice %arg4[%dma_wait3A_135, %dma_wait3A_136, %dma_wait3A_137] : memref<2x32x200xi32, #tpu.memory_space<vmem>> -> memref<1x32x200xi32, #tpu.memory_space<vmem>>
    %dma_wait3A_139 = tpu.memref_squeeze %dma_wait3A_138 : memref<1x32x200xi32, #tpu.memory_space<vmem>> -> memref<32x200xi32, #tpu.memory_space<vmem>>
    %dma_wait3A_140 = arith.constant 0 : i32
    %dma_wait3A_141 = tpu.memref_slice %arg2[%add3A_134, %dma_wait3A_140] : memref<16384x200xi32, #tpu.memory_space<hbm>> -> memref<32x200xi32, #tpu.memory_space<hbm>>
    %dma_wait3A_142 = arith.constant 0 : i32
    %dma_wait3A_143 = arith.constant 0 : i32
    %dma_wait3A_144 = tpu.memref_slice %arg4[%dma_wait3A_135, %dma_wait3A_142, %dma_wait3A_143] : memref<2x32x200xi32, #tpu.memory_space<vmem>> -> memref<1x32x200xi32, #tpu.memory_space<vmem>>
    %dma_wait3A_145 = tpu.memref_squeeze %dma_wait3A_144 : memref<1x32x200xi32, #tpu.memory_space<vmem>> -> memref<32x200xi32, #tpu.memory_space<vmem>>
    %dma_wait3A_146 = arith.constant 0 : i32
    %dma_wait3A_147 = tpu.memref_slice %arg2[%add3A_134, %dma_wait3A_146] : memref<16384x200xi32, #tpu.memory_space<hbm>> -> memref<32x200xi32, #tpu.memory_space<hbm>>
    tpu.wait_dma2 semaphore(%arg12 : memref<!tpu.dma_semaphore, #tpu.memory_space<semaphore_mem>>) src(%dma_wait3A_147 : memref<32x200xi32, #tpu.memory_space<hbm>>) dst(%dma_wait3A_145 : memref<32x200xi32, #tpu.memory_space<vmem>>)
    %broadcast_in_dim3A_148 = arith.constant 1 : i32
    %broadcast_in_dim3A_149 = vector.broadcast %broadcast_in_dim3A_148 : i32 to vector<16xi32>
    %broadcast_in_dim3A_150 = arith.constant 1 : i32
    %broadcast_in_dim3A_151 = vector.broadcast %broadcast_in_dim3A_150 : i32 to vector<16xi32>
    %scan3A_152 = arith.constant 0 : i32
    %scan3A_153 = arith.constant 0 : i32
    %scan3A_154 = arith.constant 32 : i32
    %scan3A_155 = arith.addi %scan3A_153, %scan3A_154 : i32
    %scan3A_156 = arith.constant 1 : i32
    scf.for %scan3A_228 = %scan3A_153 to %scan3A_155 step %scan3A_156  : i32 {
      %broadcast_in_dim3A_229 = arith.constant 0 : i32
      %broadcast_in_dim3A_230 = vector.broadcast %broadcast_in_dim3A_229 : i32 to vector<16xi32>
      %add3A_231 = vector.broadcast %scan3A_228 : i32 to vector<16xi32>
      %add3A_232 = arith.addi %broadcast_in_dim3A_230, %add3A_231 : vector<16xi32>
      %get3A = arith.constant 1 : i32
      %get3A_233 = arith.index_cast %get3A : i32 to index
      %get3A_234 = arith.index_cast %scan3A_228 : i32 to index
      %get3A_235 = arith.constant 0 : index
      %get3A_236 = tpu.vector_load %arg4[%get3A_233, %get3A_234, %get3A_235] {strides = array<i32>} : memref<2x32x200xi32, #tpu.memory_space<vmem>>, vector<16xi32>,
      %shift_right_logical3A = arith.constant 2 : i32
      %shift_right_logical3A_237 = vector.broadcast %shift_right_logical3A : i32 to vector<16xi32>
      %shift_right_logical3A_238 = arith.shrui %get3A_236, %shift_right_logical3A_237 : vector<16xi32>
      %and3A = arith.constant 3 : i32
      %and3A_239 = vector.broadcast %and3A : i32 to vector<16xi32>
      %and3A_240 = arith.andi %get3A_236, %and3A_239 : vector<16xi32>
      %shift_left3A = arith.constant 3 : i32
      %shift_left3A_241 = vector.broadcast %shift_left3A : i32 to vector<16xi32>
      %shift_left3A_242 = arith.shli %and3A_240, %shift_left3A_241 : vector<16xi32>
      %shift_left3A_243 = arith.shli %broadcast_in_dim3A_151, %shift_left3A_242 : vector<16xi32>
      tpu.vector_store_idx %arg5[%broadcast_in_dim3A_149, %add3A_232, %shift_right_logical3A_238], %shift_left3A_243 {add = true} : memref<2x32x256xi32, #tpu.memory_space<vmem>>[vector<16xi32>, vector<16xi32>, vector<16xi32>], vector<16xi32>,
      %get3A_244 = arith.constant 1 : i32
      %get3A_245 = arith.index_cast %get3A_244 : i32 to index
      %get3A_246 = arith.index_cast %scan3A_228 : i32 to index
      %get3A_247 = arith.constant 16 : index
      %get3A_248 = tpu.vector_load %arg4[%get3A_245, %get3A_246, %get3A_247] {strides = array<i32>} : memref<2x32x200xi32, #tpu.memory_space<vmem>>, vector<16xi32>,
      %shift_right_logical3A_249 = arith.constant 2 : i32
      %shift_right_logical3A_250 = vector.broadcast %shift_right_logical3A_249 : i32 to vector<16xi32>
      %shift_right_logical3A_251 = arith.shrui %get3A_248, %shift_right_logical3A_250 : vector<16xi32>
      %and3A_252 = arith.constant 3 : i32
      %and3A_253 = vector.broadcast %and3A_252 : i32 to vector<16xi32>
      %and3A_254 = arith.andi %get3A_248, %and3A_253 : vector<16xi32>
      %shift_left3A_255 = arith.constant 3 : i32
      %shift_left3A_256 = vector.broadcast %shift_left3A_255 : i32 to vector<16xi32>
      %shift_left3A_257 = arith.shli %and3A_254, %shift_left3A_256 : vector<16xi32>
      %shift_left3A_258 = arith.shli %broadcast_in_dim3A_151, %shift_left3A_257 : vector<16xi32>
      tpu.vector_store_idx %arg5[%broadcast_in_dim3A_149, %add3A_232, %shift_right_logical3A_251], %shift_left3A_258 {add = true} : memref<2x32x256xi32, #tpu.memory_space<vmem>>[vector<16xi32>, vector<16xi32>, vector<16xi32>], vector<16xi32>,
      %get3A_259 = arith.constant 1 : i32
      %get3A_260 = arith.index_cast %get3A_259 : i32 to index
      %get3A_261 = arith.index_cast %scan3A_228 : i32 to index
      %get3A_262 = arith.constant 32 : index
      %get3A_263 = tpu.vector_load %arg4[%get3A_260, %get3A_261, %get3A_262] {strides = array<i32>} : memref<2x32x200xi32, #tpu.memory_space<vmem>>, vector<16xi32>,
      %shift_right_logical3A_264 = arith.constant 2 : i32
      %shift_right_logical3A_265 = vector.broadcast %shift_right_logical3A_264 : i32 to vector<16xi32>
      %shift_right_logical3A_266 = arith.shrui %get3A_263, %shift_right_logical3A_265 : vector<16xi32>
      %and3A_267 = arith.constant 3 : i32
      %and3A_268 = vector.broadcast %and3A_267 : i32 to vector<16xi32>
      %and3A_269 = arith.andi %get3A_263, %and3A_268 : vector<16xi32>
      %shift_left3A_270 = arith.constant 3 : i32
      %shift_left3A_271 = vector.broadcast %shift_left3A_270 : i32 to vector<16xi32>
      %shift_left3A_272 = arith.shli %and3A_269, %shift_left3A_271 : vector<16xi32>
      %shift_left3A_273 = arith.shli %broadcast_in_dim3A_151, %shift_left3A_272 : vector<16xi32>
      tpu.vector_store_idx %arg5[%broadcast_in_dim3A_149, %add3A_232, %shift_right_logical3A_266], %shift_left3A_273 {add = true} : memref<2x32x256xi32, #tpu.memory_space<vmem>>[vector<16xi32>, vector<16xi32>, vector<16xi32>], vector<16xi32>,
      %get3A_274 = arith.constant 1 : i32
      %get3A_275 = arith.index_cast %get3A_274 : i32 to index
      %get3A_276 = arith.index_cast %scan3A_228 : i32 to index
      %get3A_277 = arith.constant 48 : index
      %get3A_278 = tpu.vector_load %arg4[%get3A_275, %get3A_276, %get3A_277] {strides = array<i32>} : memref<2x32x200xi32, #tpu.memory_space<vmem>>, vector<16xi32>,
      %shift_right_logical3A_279 = arith.constant 2 : i32
      %shift_right_logical3A_280 = vector.broadcast %shift_right_logical3A_279 : i32 to vector<16xi32>
      %shift_right_logical3A_281 = arith.shrui %get3A_278, %shift_right_logical3A_280 : vector<16xi32>
      %and3A_282 = arith.constant 3 : i32
      %and3A_283 = vector.broadcast %and3A_282 : i32 to vector<16xi32>
      %and3A_284 = arith.andi %get3A_278, %and3A_283 : vector<16xi32>
      %shift_left3A_285 = arith.constant 3 : i32
      %shift_left3A_286 = vector.broadcast %shift_left3A_285 : i32 to vector<16xi32>
      %shift_left3A_287 = arith.shli %and3A_284, %shift_left3A_286 : vector<16xi32>
      %shift_left3A_288 = arith.shli %broadcast_in_dim3A_151, %shift_left3A_287 : vector<16xi32>
      tpu.vector_store_idx %arg5[%broadcast_in_dim3A_149, %add3A_232, %shift_right_logical3A_281], %shift_left3A_288 {add = true} : memref<2x32x256xi32, #tpu.memory_space<vmem>>[vector<16xi32>, vector<16xi32>, vector<16xi32>], vector<16xi32>,
      %get3A_289 = arith.constant 1 : i32
      %get3A_290 = arith.index_cast %get3A_289 : i32 to index
      %get3A_291 = arith.index_cast %scan3A_228 : i32 to index
      %get3A_292 = arith.constant 64 : index
      %get3A_293 = tpu.vector_load %arg4[%get3A_290, %get3A_291, %get3A_292] {strides = array<i32>} : memref<2x32x200xi32, #tpu.memory_space<vmem>>, vector<16xi32>,
      %shift_right_logical3A_294 = arith.constant 2 : i32
      %shift_right_logical3A_295 = vector.broadcast %shift_right_logical3A_294 : i32 to vector<16xi32>
      %shift_right_logical3A_296 = arith.shrui %get3A_293, %shift_right_logical3A_295 : vector<16xi32>
      %and3A_297 = arith.constant 3 : i32
      %and3A_298 = vector.broadcast %and3A_297 : i32 to vector<16xi32>
      %and3A_299 = arith.andi %get3A_293, %and3A_298 : vector<16xi32>
      %shift_left3A_300 = arith.constant 3 : i32
      %shift_left3A_301 = vector.broadcast %shift_left3A_300 : i32 to vector<16xi32>
      %shift_left3A_302 = arith.shli %and3A_299, %shift_left3A_301 : vector<16xi32>
      %shift_left3A_303 = arith.shli %broadcast_in_dim3A_151, %shift_left3A_302 : vector<16xi32>
      tpu.vector_store_idx %arg5[%broadcast_in_dim3A_149, %add3A_232, %shift_right_logical3A_296], %shift_left3A_303 {add = true} : memref<2x32x256xi32, #tpu.memory_space<vmem>>[vector<16xi32>, vector<16xi32>, vector<16xi32>], vector<16xi32>,
      %get3A_304 = arith.constant 1 : i32
      %get3A_305 = arith.index_cast %get3A_304 : i32 to index
      %get3A_306 = arith.index_cast %scan3A_228 : i32 to index
      %get3A_307 = arith.constant 80 : index
      %get3A_308 = tpu.vector_load %arg4[%get3A_305, %get3A_306, %get3A_307] {strides = array<i32>} : memref<2x32x200xi32, #tpu.memory_space<vmem>>, vector<16xi32>,
      %shift_right_logical3A_309 = arith.constant 2 : i32
      %shift_right_logical3A_310 = vector.broadcast %shift_right_logical3A_309 : i32 to vector<16xi32>
      %shift_right_logical3A_311 = arith.shrui %get3A_308, %shift_right_logical3A_310 : vector<16xi32>
      %and3A_312 = arith.constant 3 : i32
      %and3A_313 = vector.broadcast %and3A_312 : i32 to vector<16xi32>
      %and3A_314 = arith.andi %get3A_308, %and3A_313 : vector<16xi32>
      %shift_left3A_315 = arith.constant 3 : i32
      %shift_left3A_316 = vector.broadcast %shift_left3A_315 : i32 to vector<16xi32>
      %shift_left3A_317 = arith.shli %and3A_314, %shift_left3A_316 : vector<16xi32>
      %shift_left3A_318 = arith.shli %broadcast_in_dim3A_151, %shift_left3A_317 : vector<16xi32>
      tpu.vector_store_idx %arg5[%broadcast_in_dim3A_149, %add3A_232, %shift_right_logical3A_311], %shift_left3A_318 {add = true} : memref<2x32x256xi32, #tpu.memory_space<vmem>>[vector<16xi32>, vector<16xi32>, vector<16xi32>], vector<16xi32>,
      %get3A_319 = arith.constant 1 : i32
      %get3A_320 = arith.index_cast %get3A_319 : i32 to index
      %get3A_321 = arith.index_cast %scan3A_228 : i32 to index
      %get3A_322 = arith.constant 96 : index
      %get3A_323 = tpu.vector_load %arg4[%get3A_320, %get3A_321, %get3A_322] {strides = array<i32>} : memref<2x32x200xi32, #tpu.memory_space<vmem>>, vector<16xi32>,
      %shift_right_logical3A_324 = arith.constant 2 : i32
      %shift_right_logical3A_325 = vector.broadcast %shift_right_logical3A_324 : i32 to vector<16xi32>
      %shift_right_logical3A_326 = arith.shrui %get3A_323, %shift_right_logical3A_325 : vector<16xi32>
      %and3A_327 = arith.constant 3 : i32
      %and3A_328 = vector.broadcast %and3A_327 : i32 to vector<16xi32>
      %and3A_329 = arith.andi %get3A_323, %and3A_328 : vector<16xi32>
      %shift_left3A_330 = arith.constant 3 : i32
      %shift_left3A_331 = vector.broadcast %shift_left3A_330 : i32 to vector<16xi32>
      %shift_left3A_332 = arith.shli %and3A_329, %shift_left3A_331 : vector<16xi32>
      %shift_left3A_333 = arith.shli %broadcast_in_dim3A_151, %shift_left3A_332 : vector<16xi32>
      tpu.vector_store_idx %arg5[%broadcast_in_dim3A_149, %add3A_232, %shift_right_logical3A_326], %shift_left3A_333 {add = true} : memref<2x32x256xi32, #tpu.memory_space<vmem>>[vector<16xi32>, vector<16xi32>, vector<16xi32>], vector<16xi32>,
      %get3A_334 = arith.constant 1 : i32
      %get3A_335 = arith.index_cast %get3A_334 : i32 to index
      %get3A_336 = arith.index_cast %scan3A_228 : i32 to index
      %get3A_337 = arith.constant 112 : index
      %get3A_338 = tpu.vector_load %arg4[%get3A_335, %get3A_336, %get3A_337] {strides = array<i32>} : memref<2x32x200xi32, #tpu.memory_space<vmem>>, vector<16xi32>,
      %shift_right_logical3A_339 = arith.constant 2 : i32
      %shift_right_logical3A_340 = vector.broadcast %shift_right_logical3A_339 : i32 to vector<16xi32>
      %shift_right_logical3A_341 = arith.shrui %get3A_338, %shift_right_logical3A_340 : vector<16xi32>
      %and3A_342 = arith.constant 3 : i32
      %and3A_343 = vector.broadcast %and3A_342 : i32 to vector<16xi32>
      %and3A_344 = arith.andi %get3A_338, %and3A_343 : vector<16xi32>
      %shift_left3A_345 = arith.constant 3 : i32
      %shift_left3A_346 = vector.broadcast %shift_left3A_345 : i32 to vector<16xi32>
      %shift_left3A_347 = arith.shli %and3A_344, %shift_left3A_346 : vector<16xi32>
      %shift_left3A_348 = arith.shli %broadcast_in_dim3A_151, %shift_left3A_347 : vector<16xi32>
      tpu.vector_store_idx %arg5[%broadcast_in_dim3A_149, %add3A_232, %shift_right_logical3A_341], %shift_left3A_348 {add = true} : memref<2x32x256xi32, #tpu.memory_space<vmem>>[vector<16xi32>, vector<16xi32>, vector<16xi32>], vector<16xi32>,
      %get3A_349 = arith.constant 1 : i32
      %get3A_350 = arith.index_cast %get3A_349 : i32 to index
      %get3A_351 = arith.index_cast %scan3A_228 : i32 to index
      %get3A_352 = arith.constant 128 : index
      %get3A_353 = tpu.vector_load %arg4[%get3A_350, %get3A_351, %get3A_352] {strides = array<i32>} : memref<2x32x200xi32, #tpu.memory_space<vmem>>, vector<16xi32>,
      %shift_right_logical3A_354 = arith.constant 2 : i32
      %shift_right_logical3A_355 = vector.broadcast %shift_right_logical3A_354 : i32 to vector<16xi32>
      %shift_right_logical3A_356 = arith.shrui %get3A_353, %shift_right_logical3A_355 : vector<16xi32>
      %and3A_357 = arith.constant 3 : i32
      %and3A_358 = vector.broadcast %and3A_357 : i32 to vector<16xi32>
      %and3A_359 = arith.andi %get3A_353, %and3A_358 : vector<16xi32>
      %shift_left3A_360 = arith.constant 3 : i32
      %shift_left3A_361 = vector.broadcast %shift_left3A_360 : i32 to vector<16xi32>
      %shift_left3A_362 = arith.shli %and3A_359, %shift_left3A_361 : vector<16xi32>
      %shift_left3A_363 = arith.shli %broadcast_in_dim3A_151, %shift_left3A_362 : vector<16xi32>
      tpu.vector_store_idx %arg5[%broadcast_in_dim3A_149, %add3A_232, %shift_right_logical3A_356], %shift_left3A_363 {add = true} : memref<2x32x256xi32, #tpu.memory_space<vmem>>[vector<16xi32>, vector<16xi32>, vector<16xi32>], vector<16xi32>,
      %get3A_364 = arith.constant 1 : i32
      %get3A_365 = arith.index_cast %get3A_364 : i32 to index
      %get3A_366 = arith.index_cast %scan3A_228 : i32 to index
      %get3A_367 = arith.constant 144 : index
      %get3A_368 = tpu.vector_load %arg4[%get3A_365, %get3A_366, %get3A_367] {strides = array<i32>} : memref<2x32x200xi32, #tpu.memory_space<vmem>>, vector<16xi32>,
      %shift_right_logical3A_369 = arith.constant 2 : i32
      %shift_right_logical3A_370 = vector.broadcast %shift_right_logical3A_369 : i32 to vector<16xi32>
      %shift_right_logical3A_371 = arith.shrui %get3A_368, %shift_right_logical3A_370 : vector<16xi32>
      %and3A_372 = arith.constant 3 : i32
      %and3A_373 = vector.broadcast %and3A_372 : i32 to vector<16xi32>
      %and3A_374 = arith.andi %get3A_368, %and3A_373 : vector<16xi32>
      %shift_left3A_375 = arith.constant 3 : i32
      %shift_left3A_376 = vector.broadcast %shift_left3A_375 : i32 to vector<16xi32>
      %shift_left3A_377 = arith.shli %and3A_374, %shift_left3A_376 : vector<16xi32>
      %shift_left3A_378 = arith.shli %broadcast_in_dim3A_151, %shift_left3A_377 : vector<16xi32>
      tpu.vector_store_idx %arg5[%broadcast_in_dim3A_149, %add3A_232, %shift_right_logical3A_371], %shift_left3A_378 {add = true} : memref<2x32x256xi32, #tpu.memory_space<vmem>>[vector<16xi32>, vector<16xi32>, vector<16xi32>], vector<16xi32>,
      %get3A_379 = arith.constant 1 : i32
      %get3A_380 = arith.index_cast %get3A_379 : i32 to index
      %get3A_381 = arith.index_cast %scan3A_228 : i32 to index
      %get3A_382 = arith.constant 160 : index
      %get3A_383 = tpu.vector_load %arg4[%get3A_380, %get3A_381, %get3A_382] {strides = array<i32>} : memref<2x32x200xi32, #tpu.memory_space<vmem>>, vector<16xi32>,
      %shift_right_logical3A_384 = arith.constant 2 : i32
      %shift_right_logical3A_385 = vector.broadcast %shift_right_logical3A_384 : i32 to vector<16xi32>
      %shift_right_logical3A_386 = arith.shrui %get3A_383, %shift_right_logical3A_385 : vector<16xi32>
      %and3A_387 = arith.constant 3 : i32
      %and3A_388 = vector.broadcast %and3A_387 : i32 to vector<16xi32>
      %and3A_389 = arith.andi %get3A_383, %and3A_388 : vector<16xi32>
      %shift_left3A_390 = arith.constant 3 : i32
      %shift_left3A_391 = vector.broadcast %shift_left3A_390 : i32 to vector<16xi32>
      %shift_left3A_392 = arith.shli %and3A_389, %shift_left3A_391 : vector<16xi32>
      %shift_left3A_393 = arith.shli %broadcast_in_dim3A_151, %shift_left3A_392 : vector<16xi32>
      tpu.vector_store_idx %arg5[%broadcast_in_dim3A_149, %add3A_232, %shift_right_logical3A_386], %shift_left3A_393 {add = true} : memref<2x32x256xi32, #tpu.memory_space<vmem>>[vector<16xi32>, vector<16xi32>, vector<16xi32>], vector<16xi32>,
      %get3A_394 = arith.constant 1 : i32
      %get3A_395 = arith.index_cast %get3A_394 : i32 to index
      %get3A_396 = arith.index_cast %scan3A_228 : i32 to index
      %get3A_397 = arith.constant 176 : index
      %get3A_398 = tpu.vector_load %arg4[%get3A_395, %get3A_396, %get3A_397] {strides = array<i32>} : memref<2x32x200xi32, #tpu.memory_space<vmem>>, vector<16xi32>,
      %shift_right_logical3A_399 = arith.constant 2 : i32
      %shift_right_logical3A_400 = vector.broadcast %shift_right_logical3A_399 : i32 to vector<16xi32>
      %shift_right_logical3A_401 = arith.shrui %get3A_398, %shift_right_logical3A_400 : vector<16xi32>
      %and3A_402 = arith.constant 3 : i32
      %and3A_403 = vector.broadcast %and3A_402 : i32 to vector<16xi32>
      %and3A_404 = arith.andi %get3A_398, %and3A_403 : vector<16xi32>
      %shift_left3A_405 = arith.constant 3 : i32
      %shift_left3A_406 = vector.broadcast %shift_left3A_405 : i32 to vector<16xi32>
      %shift_left3A_407 = arith.shli %and3A_404, %shift_left3A_406 : vector<16xi32>
      %shift_left3A_408 = arith.shli %broadcast_in_dim3A_151, %shift_left3A_407 : vector<16xi32>
      tpu.vector_store_idx %arg5[%broadcast_in_dim3A_149, %add3A_232, %shift_right_logical3A_401], %shift_left3A_408 {add = true} : memref<2x32x256xi32, #tpu.memory_space<vmem>>[vector<16xi32>, vector<16xi32>, vector<16xi32>], vector<16xi32>,
      %get3A_409 = arith.constant 1 : i32
      %get3A_410 = arith.index_cast %get3A_409 : i32 to index
      %get3A_411 = arith.index_cast %scan3A_228 : i32 to index
      %get3A_412 = arith.constant 184 : index
      %get3A_413 = tpu.vector_load %arg4[%get3A_410, %get3A_411, %get3A_412] {strides = array<i32>} : memref<2x32x200xi32, #tpu.memory_space<vmem>>, vector<16xi32>,
      %shift_right_logical3A_414 = arith.constant 2 : i32
      %shift_right_logical3A_415 = vector.broadcast %shift_right_logical3A_414 : i32 to vector<16xi32>
      %shift_right_logical3A_416 = arith.shrui %get3A_413, %shift_right_logical3A_415 : vector<16xi32>
      %and3A_417 = arith.constant 3 : i32
      %and3A_418 = vector.broadcast %and3A_417 : i32 to vector<16xi32>
      %and3A_419 = arith.andi %get3A_413, %and3A_418 : vector<16xi32>
      %shift_left3A_420 = arith.constant 3 : i32
      %shift_left3A_421 = vector.broadcast %shift_left3A_420 : i32 to vector<16xi32>
      %shift_left3A_422 = arith.shli %and3A_419, %shift_left3A_421 : vector<16xi32>
      %shift_left3A_423 = arith.shli %broadcast_in_dim3A_151, %shift_left3A_422 : vector<16xi32>
      tpu.vector_store_idx %arg5[%broadcast_in_dim3A_149, %add3A_232, %shift_right_logical3A_416], %shift_left3A_423 masked %ge3A_5 {add = true} : memref<2x32x256xi32, #tpu.memory_space<vmem>>[vector<16xi32>, vector<16xi32>, vector<16xi32>], vector<16xi32>, vector<16xi1>
    }
    %scan3A_157 = arith.constant 32 : i32
    %add3A_158 = arith.constant 32 : i32
    %add3A_159 = arith.addi %mul3A_2, %add3A_158 : i32
    %dma_start3A_160 = arith.constant 1 : i32
    %dma_start3A_161 = arith.constant 0 : i32
    %dma_start3A_162 = arith.constant 0 : i32
    %dma_start3A_163 = tpu.memref_slice %arg5[%dma_start3A_160, %dma_start3A_161, %dma_start3A_162] : memref<2x32x256xi32, #tpu.memory_space<vmem>> -> memref<1x32x256xi32, #tpu.memory_space<vmem>>
    %dma_start3A_164 = tpu.memref_squeeze %dma_start3A_163 : memref<1x32x256xi32, #tpu.memory_space<vmem>> -> memref<32x256xi32, #tpu.memory_space<vmem>>
    %dma_start3A_165 = arith.constant 0 : i32
    %dma_start3A_166 = tpu.memref_slice %arg3[%add3A_159, %dma_start3A_165] : memref<16384x256xi32, #tpu.memory_space<hbm>> -> memref<32x256xi32, #tpu.memory_space<hbm>>
    %dma_start3A_167 = arith.constant 0 : i32
    %dma_start3A_168 = tpu.memref_slice %arg3[%add3A_159, %dma_start3A_167] : memref<16384x256xi32, #tpu.memory_space<hbm>> -> memref<32x256xi32, #tpu.memory_space<hbm>>
    %dma_start3A_169 = arith.constant 0 : i32
    %dma_start3A_170 = arith.constant 0 : i32
    %dma_start3A_171 = tpu.memref_slice %arg5[%dma_start3A_160, %dma_start3A_169, %dma_start3A_170] : memref<2x32x256xi32, #tpu.memory_space<vmem>> -> memref<1x32x256xi32, #tpu.memory_space<vmem>>
    %dma_start3A_172 = tpu.memref_squeeze %dma_start3A_171 : memref<1x32x256xi32, #tpu.memory_space<vmem>> -> memref<32x256xi32, #tpu.memory_space<vmem>>
    tpu.enqueue_dma source(%dma_start3A_172 : memref<32x256xi32, #tpu.memory_space<vmem>>) target(%dma_start3A_168 : memref<32x256xi32, #tpu.memory_space<hbm>>) target_semaphore(%arg8 : memref<!tpu.dma_semaphore, #tpu.memory_space<semaphore_mem>>)
    %min3A_173 = arith.constant 3 : i32
    %min3A_174 = arith.constant 15 : i32
    %min3A_175 = arith.minsi %min3A_173, %min3A_174 : i32
    %mul3A_176 = arith.constant 32 : i32
    %mul3A_177 = arith.muli %min3A_175, %mul3A_176 : i32
    %add3A_178 = arith.addi %mul3A_2, %mul3A_177 : i32
    %dma_start3A_179 = arith.constant 1 : i32
    %dma_start3A_180 = arith.constant 0 : i32
    %dma_start3A_181 = arith.constant 0 : i32
    %dma_start3A_182 = tpu.memref_slice %arg4[%dma_start3A_179, %dma_start3A_180, %dma_start3A_181] : memref<2x32x200xi32, #tpu.memory_space<vmem>> -> memref<1x32x200xi32, #tpu.memory_space<vmem>>
    %dma_start3A_183 = tpu.memref_squeeze %dma_start3A_182 : memref<1x32x200xi32, #tpu.memory_space<vmem>> -> memref<32x200xi32, #tpu.memory_space<vmem>>
    %dma_start3A_184 = arith.constant 0 : i32
    %dma_start3A_185 = tpu.memref_slice %arg2[%add3A_178, %dma_start3A_184] : memref<16384x200xi32, #tpu.memory_space<hbm>> -> memref<32x200xi32, #tpu.memory_space<hbm>>
    %dma_start3A_186 = arith.constant 0 : i32
    %dma_start3A_187 = arith.constant 0 : i32
    %dma_start3A_188 = tpu.memref_slice %arg4[%dma_start3A_179, %dma_start3A_186, %dma_start3A_187] : memref<2x32x200xi32, #tpu.memory_space<vmem>> -> memref<1x32x200xi32, #tpu.memory_space<vmem>>
    %dma_start3A_189 = tpu.memref_squeeze %dma_start3A_188 : memref<1x32x200xi32, #tpu.memory_space<vmem>> -> memref<32x200xi32, #tpu.memory_space<vmem>>
    %dma_start3A_190 = arith.constant 0 : i32
    %dma_start3A_191 = tpu.memref_slice %arg2[%add3A_178, %dma_start3A_190] : memref<16384x200xi32, #tpu.memory_space<hbm>> -> memref<32x200xi32, #tpu.memory_space<hbm>>
    tpu.enqueue_dma source(%dma_start3A_191 : memref<32x200xi32, #tpu.memory_space<hbm>>) target(%dma_start3A_189 : memref<32x200xi32, #tpu.memory_space<vmem>>) target_semaphore(%arg12 : memref<!tpu.dma_semaphore, #tpu.memory_space<semaphore_mem>>)
    %scan3A_192 = arith.constant 0 : i32
    %scan3A_193 = arith.constant 1 : i32
    %scan3A_194 = arith.constant 7 : i32
    %scan3A_195 = arith.addi %scan3A_193, %scan3A_194 : i32
    %scan3A_196 = arith.constant 1 : i32
    scf.for %scan3A_228 = %scan3A_193 to %scan3A_195 step %scan3A_196  : i32 {
      %mul3A_229 = arith.constant 2 : i32
      %mul3A_230 = arith.muli %scan3A_228, %mul3A_229 : i32
      %add3A_231 = arith.constant 0 : i32
      %add3A_232 = arith.addi %mul3A_230, %add3A_231 : i32
      %sub3A = arith.constant 2 : i32
      %sub3A_233 = arith.subi %add3A_232, %sub3A : i32
      %mul3A_234 = arith.constant 32 : i32
      %mul3A_235 = arith.muli %sub3A_233, %mul3A_234 : i32
      %add3A_236 = arith.addi %mul3A_2, %mul3A_235 : i32
      %dma_wait3A_237 = arith.constant 0 : i32
      %dma_wait3A_238 = arith.constant 0 : i32
      %dma_wait3A_239 = arith.constant 0 : i32
      %dma_wait3A_240 = tpu.memref_slice %arg5[%dma_wait3A_237, %dma_wait3A_238, %dma_wait3A_239] : memref<2x32x256xi32, #tpu.memory_space<vmem>> -> memref<1x32x256xi32, #tpu.memory_space<vmem>>
      %dma_wait3A_241 = tpu.memref_squeeze %dma_wait3A_240 : memref<1x32x256xi32, #tpu.memory_space<vmem>> -> memref<32x256xi32, #tpu.memory_space<vmem>>
      %dma_wait3A_242 = arith.constant 0 : i32
      %dma_wait3A_243 = tpu.memref_slice %arg3[%add3A_236, %dma_wait3A_242] : memref<16384x256xi32, #tpu.memory_space<hbm>> -> memref<32x256xi32, #tpu.memory_space<hbm>>
      %dma_wait3A_244 = arith.constant 0 : i32
      %dma_wait3A_245 = tpu.memref_slice %arg3[%add3A_236, %dma_wait3A_244] : memref<16384x256xi32, #tpu.memory_space<hbm>> -> memref<32x256xi32, #tpu.memory_space<hbm>>
      %dma_wait3A_246 = arith.constant 0 : i32
      %dma_wait3A_247 = arith.constant 0 : i32
      %dma_wait3A_248 = tpu.memref_slice %arg5[%dma_wait3A_237, %dma_wait3A_246, %dma_wait3A_247] : memref<2x32x256xi32, #tpu.memory_space<vmem>> -> memref<1x32x256xi32, #tpu.memory_space<vmem>>
      %dma_wait3A_249 = tpu.memref_squeeze %dma_wait3A_248 : memref<1x32x256xi32, #tpu.memory_space<vmem>> -> memref<32x256xi32, #tpu.memory_space<vmem>>
      tpu.wait_dma2 semaphore(%arg7 : memref<!tpu.dma_semaphore, #tpu.memory_space<semaphore_mem>>) src(%dma_wait3A_249 : memref<32x256xi32, #tpu.memory_space<vmem>>) dst(%dma_wait3A_245 : memref<32x256xi32, #tpu.memory_space<hbm>>)
      %dma_start3A_250 = arith.constant 0 : i32
      %dma_start3A_251 = arith.constant 0 : i32
      %dma_start3A_252 = arith.constant 0 : i32
      %dma_start3A_253 = tpu.memref_slice %arg5[%dma_start3A_250, %dma_start3A_251, %dma_start3A_252] : memref<2x32x256xi32, #tpu.memory_space<vmem>> -> memref<1x32x256xi32, #tpu.memory_space<vmem>>
      %dma_start3A_254 = tpu.memref_squeeze %dma_start3A_253 : memref<1x32x256xi32, #tpu.memory_space<vmem>> -> memref<32x256xi32, #tpu.memory_space<vmem>>
      %dma_start3A_255 = arith.constant 0 : i32
      %dma_start3A_256 = arith.constant 0 : i32
      %dma_start3A_257 = tpu.memref_slice %arg5[%dma_start3A_250, %dma_start3A_255, %dma_start3A_256] : memref<2x32x256xi32, #tpu.memory_space<vmem>> -> memref<1x32x256xi32, #tpu.memory_space<vmem>>
      %dma_start3A_258 = tpu.memref_squeeze %dma_start3A_257 : memref<1x32x256xi32, #tpu.memory_space<vmem>> -> memref<32x256xi32, #tpu.memory_space<vmem>>
      tpu.enqueue_dma source(%arg6 : memref<32x256xi32, #tpu.memory_space<vmem_shared>>) target(%dma_start3A_258 : memref<32x256xi32, #tpu.memory_space<vmem>>) target_semaphore(%arg9 : memref<!tpu.dma_semaphore, #tpu.memory_space<semaphore_mem>>)
      %mul3A_259 = arith.constant 2 : i32
      %mul3A_260 = arith.muli %scan3A_228, %mul3A_259 : i32
      %add3A_261 = arith.constant 1 : i32
      %add3A_262 = arith.addi %mul3A_260, %add3A_261 : i32
      %sub3A_263 = arith.constant 2 : i32
      %sub3A_264 = arith.subi %add3A_262, %sub3A_263 : i32
      %mul3A_265 = arith.constant 32 : i32
      %mul3A_266 = arith.muli %sub3A_264, %mul3A_265 : i32
      %add3A_267 = arith.addi %mul3A_2, %mul3A_266 : i32
      %dma_wait3A_268 = arith.constant 1 : i32
      %dma_wait3A_269 = arith.constant 0 : i32
      %dma_wait3A_270 = arith.constant 0 : i32
      %dma_wait3A_271 = tpu.memref_slice %arg5[%dma_wait3A_268, %dma_wait3A_269, %dma_wait3A_270] : memref<2x32x256xi32, #tpu.memory_space<vmem>> -> memref<1x32x256xi32, #tpu.memory_space<vmem>>
      %dma_wait3A_272 = tpu.memref_squeeze %dma_wait3A_271 : memref<1x32x256xi32, #tpu.memory_space<vmem>> -> memref<32x256xi32, #tpu.memory_space<vmem>>
      %dma_wait3A_273 = arith.constant 0 : i32
      %dma_wait3A_274 = tpu.memref_slice %arg3[%add3A_267, %dma_wait3A_273] : memref<16384x256xi32, #tpu.memory_space<hbm>> -> memref<32x256xi32, #tpu.memory_space<hbm>>
      %dma_wait3A_275 = arith.constant 0 : i32
      %dma_wait3A_276 = tpu.memref_slice %arg3[%add3A_267, %dma_wait3A_275] : memref<16384x256xi32, #tpu.memory_space<hbm>> -> memref<32x256xi32, #tpu.memory_space<hbm>>
      %dma_wait3A_277 = arith.constant 0 : i32
      %dma_wait3A_278 = arith.constant 0 : i32
      %dma_wait3A_279 = tpu.memref_slice %arg5[%dma_wait3A_268, %dma_wait3A_277, %dma_wait3A_278] : memref<2x32x256xi32, #tpu.memory_space<vmem>> -> memref<1x32x256xi32, #tpu.memory_space<vmem>>
      %dma_wait3A_280 = tpu.memref_squeeze %dma_wait3A_279 : memref<1x32x256xi32, #tpu.memory_space<vmem>> -> memref<32x256xi32, #tpu.memory_space<vmem>>
      tpu.wait_dma2 semaphore(%arg8 : memref<!tpu.dma_semaphore, #tpu.memory_space<semaphore_mem>>) src(%dma_wait3A_280 : memref<32x256xi32, #tpu.memory_space<vmem>>) dst(%dma_wait3A_276 : memref<32x256xi32, #tpu.memory_space<hbm>>)
      %dma_start3A_281 = arith.constant 1 : i32
      %dma_start3A_282 = arith.constant 0 : i32
      %dma_start3A_283 = arith.constant 0 : i32
      %dma_start3A_284 = tpu.memref_slice %arg5[%dma_start3A_281, %dma_start3A_282, %dma_start3A_283] : memref<2x32x256xi32, #tpu.memory_space<vmem>> -> memref<1x32x256xi32, #tpu.memory_space<vmem>>
      %dma_start3A_285 = tpu.memref_squeeze %dma_start3A_284 : memref<1x32x256xi32, #tpu.memory_space<vmem>> -> memref<32x256xi32, #tpu.memory_space<vmem>>
      %dma_start3A_286 = arith.constant 0 : i32
      %dma_start3A_287 = arith.constant 0 : i32
      %dma_start3A_288 = tpu.memref_slice %arg5[%dma_start3A_281, %dma_start3A_286, %dma_start3A_287] : memref<2x32x256xi32, #tpu.memory_space<vmem>> -> memref<1x32x256xi32, #tpu.memory_space<vmem>>
      %dma_start3A_289 = tpu.memref_squeeze %dma_start3A_288 : memref<1x32x256xi32, #tpu.memory_space<vmem>> -> memref<32x256xi32, #tpu.memory_space<vmem>>
      tpu.enqueue_dma source(%arg6 : memref<32x256xi32, #tpu.memory_space<vmem_shared>>) target(%dma_start3A_289 : memref<32x256xi32, #tpu.memory_space<vmem>>) target_semaphore(%arg10 : memref<!tpu.dma_semaphore, #tpu.memory_space<semaphore_mem>>)
      %mul3A_290 = arith.constant 2 : i32
      %mul3A_291 = arith.muli %scan3A_228, %mul3A_290 : i32
      %add3A_292 = arith.constant 0 : i32
      %add3A_293 = arith.addi %mul3A_291, %add3A_292 : i32
      %dma_wait3A_294 = arith.constant 0 : i32
      %dma_wait3A_295 = arith.constant 0 : i32
      %dma_wait3A_296 = arith.constant 0 : i32
      %dma_wait3A_297 = tpu.memref_slice %arg5[%dma_wait3A_294, %dma_wait3A_295, %dma_wait3A_296] : memref<2x32x256xi32, #tpu.memory_space<vmem>> -> memref<1x32x256xi32, #tpu.memory_space<vmem>>
      %dma_wait3A_298 = tpu.memref_squeeze %dma_wait3A_297 : memref<1x32x256xi32, #tpu.memory_space<vmem>> -> memref<32x256xi32, #tpu.memory_space<vmem>>
      %dma_wait3A_299 = arith.constant 0 : i32
      %dma_wait3A_300 = arith.constant 0 : i32
      %dma_wait3A_301 = tpu.memref_slice %arg5[%dma_wait3A_294, %dma_wait3A_299, %dma_wait3A_300] : memref<2x32x256xi32, #tpu.memory_space<vmem>> -> memref<1x32x256xi32, #tpu.memory_space<vmem>>
      %dma_wait3A_302 = tpu.memref_squeeze %dma_wait3A_301 : memref<1x32x256xi32, #tpu.memory_space<vmem>> -> memref<32x256xi32, #tpu.memory_space<vmem>>
      tpu.wait_dma2 semaphore(%arg9 : memref<!tpu.dma_semaphore, #tpu.memory_space<semaphore_mem>>) src(%arg6 : memref<32x256xi32, #tpu.memory_space<vmem_shared>>) dst(%dma_wait3A_302 : memref<32x256xi32, #tpu.memory_space<vmem>>)
      %min3A_303 = arith.constant 15 : i32
      %min3A_304 = arith.minsi %add3A_293, %min3A_303 : i32
      %mul3A_305 = arith.constant 32 : i32
      %mul3A_306 = arith.muli %min3A_304, %mul3A_305 : i32
      %add3A_307 = arith.addi %mul3A_2, %mul3A_306 : i32
      %dma_wait3A_308 = arith.constant 0 : i32
      %dma_wait3A_309 = arith.constant 0 : i32
      %dma_wait3A_310 = arith.constant 0 : i32
      %dma_wait3A_311 = tpu.memref_slice %arg4[%dma_wait3A_308, %dma_wait3A_309, %dma_wait3A_310] : memref<2x32x200xi32, #tpu.memory_space<vmem>> -> memref<1x32x200xi32, #tpu.memory_space<vmem>>
      %dma_wait3A_312 = tpu.memref_squeeze %dma_wait3A_311 : memref<1x32x200xi32, #tpu.memory_space<vmem>> -> memref<32x200xi32, #tpu.memory_space<vmem>>
      %dma_wait3A_313 = arith.constant 0 : i32
      %dma_wait3A_314 = tpu.memref_slice %arg2[%add3A_307, %dma_wait3A_313] : memref<16384x200xi32, #tpu.memory_space<hbm>> -> memref<32x200xi32, #tpu.memory_space<hbm>>
      %dma_wait3A_315 = arith.constant 0 : i32
      %dma_wait3A_316 = arith.constant 0 : i32
      %dma_wait3A_317 = tpu.memref_slice %arg4[%dma_wait3A_308, %dma_wait3A_315, %dma_wait3A_316] : memref<2x32x200xi32, #tpu.memory_space<vmem>> -> memref<1x32x200xi32, #tpu.memory_space<vmem>>
      %dma_wait3A_318 = tpu.memref_squeeze %dma_wait3A_317 : memref<1x32x200xi32, #tpu.memory_space<vmem>> -> memref<32x200xi32, #tpu.memory_space<vmem>>
      %dma_wait3A_319 = arith.constant 0 : i32
      %dma_wait3A_320 = tpu.memref_slice %arg2[%add3A_307, %dma_wait3A_319] : memref<16384x200xi32, #tpu.memory_space<hbm>> -> memref<32x200xi32, #tpu.memory_space<hbm>>
      tpu.wait_dma2 semaphore(%arg11 : memref<!tpu.dma_semaphore, #tpu.memory_space<semaphore_mem>>) src(%dma_wait3A_320 : memref<32x200xi32, #tpu.memory_space<hbm>>) dst(%dma_wait3A_318 : memref<32x200xi32, #tpu.memory_space<vmem>>)
      %broadcast_in_dim3A_321 = arith.constant 0 : i32
      %broadcast_in_dim3A_322 = vector.broadcast %broadcast_in_dim3A_321 : i32 to vector<16xi32>
      %broadcast_in_dim3A_323 = arith.constant 1 : i32
      %broadcast_in_dim3A_324 = vector.broadcast %broadcast_in_dim3A_323 : i32 to vector<16xi32>
      %scan3A_325 = arith.constant 0 : i32
      %scan3A_326 = arith.constant 0 : i32
      %scan3A_327 = arith.constant 32 : i32
      %scan3A_328 = arith.addi %scan3A_326, %scan3A_327 : i32
      %scan3A_329 = arith.constant 1 : i32
      scf.for %scan3A_444 = %scan3A_326 to %scan3A_328 step %scan3A_329  : i32 {
        %broadcast_in_dim3A_445 = arith.constant 0 : i32
        %broadcast_in_dim3A_446 = vector.broadcast %broadcast_in_dim3A_445 : i32 to vector<16xi32>
        %add3A_447 = vector.broadcast %scan3A_444 : i32 to vector<16xi32>
        %add3A_448 = arith.addi %broadcast_in_dim3A_446, %add3A_447 : vector<16xi32>
        %get3A = arith.constant 0 : i32
        %get3A_449 = arith.index_cast %get3A : i32 to index
        %get3A_450 = arith.index_cast %scan3A_444 : i32 to index
        %get3A_451 = arith.constant 0 : index
        %get3A_452 = tpu.vector_load %arg4[%get3A_449, %get3A_450, %get3A_451] {strides = array<i32>} : memref<2x32x200xi32, #tpu.memory_space<vmem>>, vector<16xi32>,
        %shift_right_logical3A = arith.constant 2 : i32
        %shift_right_logical3A_453 = vector.broadcast %shift_right_logical3A : i32 to vector<16xi32>
        %shift_right_logical3A_454 = arith.shrui %get3A_452, %shift_right_logical3A_453 : vector<16xi32>
        %and3A = arith.constant 3 : i32
        %and3A_455 = vector.broadcast %and3A : i32 to vector<16xi32>
        %and3A_456 = arith.andi %get3A_452, %and3A_455 : vector<16xi32>
        %shift_left3A = arith.constant 3 : i32
        %shift_left3A_457 = vector.broadcast %shift_left3A : i32 to vector<16xi32>
        %shift_left3A_458 = arith.shli %and3A_456, %shift_left3A_457 : vector<16xi32>
        %shift_left3A_459 = arith.shli %broadcast_in_dim3A_324, %shift_left3A_458 : vector<16xi32>
        tpu.vector_store_idx %arg5[%broadcast_in_dim3A_322, %add3A_448, %shift_right_logical3A_454], %shift_left3A_459 {add = true} : memref<2x32x256xi32, #tpu.memory_space<vmem>>[vector<16xi32>, vector<16xi32>, vector<16xi32>], vector<16xi32>,
        %get3A_460 = arith.constant 0 : i32
        %get3A_461 = arith.index_cast %get3A_460 : i32 to index
        %get3A_462 = arith.index_cast %scan3A_444 : i32 to index
        %get3A_463 = arith.constant 16 : index
        %get3A_464 = tpu.vector_load %arg4[%get3A_461, %get3A_462, %get3A_463] {strides = array<i32>} : memref<2x32x200xi32, #tpu.memory_space<vmem>>, vector<16xi32>,
        %shift_right_logical3A_465 = arith.constant 2 : i32
        %shift_right_logical3A_466 = vector.broadcast %shift_right_logical3A_465 : i32 to vector<16xi32>
        %shift_right_logical3A_467 = arith.shrui %get3A_464, %shift_right_logical3A_466 : vector<16xi32>
        %and3A_468 = arith.constant 3 : i32
        %and3A_469 = vector.broadcast %and3A_468 : i32 to vector<16xi32>
        %and3A_470 = arith.andi %get3A_464, %and3A_469 : vector<16xi32>
        %shift_left3A_471 = arith.constant 3 : i32
        %shift_left3A_472 = vector.broadcast %shift_left3A_471 : i32 to vector<16xi32>
        %shift_left3A_473 = arith.shli %and3A_470, %shift_left3A_472 : vector<16xi32>
        %shift_left3A_474 = arith.shli %broadcast_in_dim3A_324, %shift_left3A_473 : vector<16xi32>
        tpu.vector_store_idx %arg5[%broadcast_in_dim3A_322, %add3A_448, %shift_right_logical3A_467], %shift_left3A_474 {add = true} : memref<2x32x256xi32, #tpu.memory_space<vmem>>[vector<16xi32>, vector<16xi32>, vector<16xi32>], vector<16xi32>,
        %get3A_475 = arith.constant 0 : i32
        %get3A_476 = arith.index_cast %get3A_475 : i32 to index
        %get3A_477 = arith.index_cast %scan3A_444 : i32 to index
        %get3A_478 = arith.constant 32 : index
        %get3A_479 = tpu.vector_load %arg4[%get3A_476, %get3A_477, %get3A_478] {strides = array<i32>} : memref<2x32x200xi32, #tpu.memory_space<vmem>>, vector<16xi32>,
        %shift_right_logical3A_480 = arith.constant 2 : i32
        %shift_right_logical3A_481 = vector.broadcast %shift_right_logical3A_480 : i32 to vector<16xi32>
        %shift_right_logical3A_482 = arith.shrui %get3A_479, %shift_right_logical3A_481 : vector<16xi32>
        %and3A_483 = arith.constant 3 : i32
        %and3A_484 = vector.broadcast %and3A_483 : i32 to vector<16xi32>
        %and3A_485 = arith.andi %get3A_479, %and3A_484 : vector<16xi32>
        %shift_left3A_486 = arith.constant 3 : i32
        %shift_left3A_487 = vector.broadcast %shift_left3A_486 : i32 to vector<16xi32>
        %shift_left3A_488 = arith.shli %and3A_485, %shift_left3A_487 : vector<16xi32>
        %shift_left3A_489 = arith.shli %broadcast_in_dim3A_324, %shift_left3A_488 : vector<16xi32>
        tpu.vector_store_idx %arg5[%broadcast_in_dim3A_322, %add3A_448, %shift_right_logical3A_482], %shift_left3A_489 {add = true} : memref<2x32x256xi32, #tpu.memory_space<vmem>>[vector<16xi32>, vector<16xi32>, vector<16xi32>], vector<16xi32>,
        %get3A_490 = arith.constant 0 : i32
        %get3A_491 = arith.index_cast %get3A_490 : i32 to index
        %get3A_492 = arith.index_cast %scan3A_444 : i32 to index
        %get3A_493 = arith.constant 48 : index
        %get3A_494 = tpu.vector_load %arg4[%get3A_491, %get3A_492, %get3A_493] {strides = array<i32>} : memref<2x32x200xi32, #tpu.memory_space<vmem>>, vector<16xi32>,
        %shift_right_logical3A_495 = arith.constant 2 : i32
        %shift_right_logical3A_496 = vector.broadcast %shift_right_logical3A_495 : i32 to vector<16xi32>
        %shift_right_logical3A_497 = arith.shrui %get3A_494, %shift_right_logical3A_496 : vector<16xi32>
        %and3A_498 = arith.constant 3 : i32
        %and3A_499 = vector.broadcast %and3A_498 : i32 to vector<16xi32>
        %and3A_500 = arith.andi %get3A_494, %and3A_499 : vector<16xi32>
        %shift_left3A_501 = arith.constant 3 : i32
        %shift_left3A_502 = vector.broadcast %shift_left3A_501 : i32 to vector<16xi32>
        %shift_left3A_503 = arith.shli %and3A_500, %shift_left3A_502 : vector<16xi32>
        %shift_left3A_504 = arith.shli %broadcast_in_dim3A_324, %shift_left3A_503 : vector<16xi32>
        tpu.vector_store_idx %arg5[%broadcast_in_dim3A_322, %add3A_448, %shift_right_logical3A_497], %shift_left3A_504 {add = true} : memref<2x32x256xi32, #tpu.memory_space<vmem>>[vector<16xi32>, vector<16xi32>, vector<16xi32>], vector<16xi32>,
        %get3A_505 = arith.constant 0 : i32
        %get3A_506 = arith.index_cast %get3A_505 : i32 to index
        %get3A_507 = arith.index_cast %scan3A_444 : i32 to index
        %get3A_508 = arith.constant 64 : index
        %get3A_509 = tpu.vector_load %arg4[%get3A_506, %get3A_507, %get3A_508] {strides = array<i32>} : memref<2x32x200xi32, #tpu.memory_space<vmem>>, vector<16xi32>,
        %shift_right_logical3A_510 = arith.constant 2 : i32
        %shift_right_logical3A_511 = vector.broadcast %shift_right_logical3A_510 : i32 to vector<16xi32>
        %shift_right_logical3A_512 = arith.shrui %get3A_509, %shift_right_logical3A_511 : vector<16xi32>
        %and3A_513 = arith.constant 3 : i32
        %and3A_514 = vector.broadcast %and3A_513 : i32 to vector<16xi32>
        %and3A_515 = arith.andi %get3A_509, %and3A_514 : vector<16xi32>
        %shift_left3A_516 = arith.constant 3 : i32
        %shift_left3A_517 = vector.broadcast %shift_left3A_516 : i32 to vector<16xi32>
        %shift_left3A_518 = arith.shli %and3A_515, %shift_left3A_517 : vector<16xi32>
        %shift_left3A_519 = arith.shli %broadcast_in_dim3A_324, %shift_left3A_518 : vector<16xi32>
        tpu.vector_store_idx %arg5[%broadcast_in_dim3A_322, %add3A_448, %shift_right_logical3A_512], %shift_left3A_519 {add = true} : memref<2x32x256xi32, #tpu.memory_space<vmem>>[vector<16xi32>, vector<16xi32>, vector<16xi32>], vector<16xi32>,
        %get3A_520 = arith.constant 0 : i32
        %get3A_521 = arith.index_cast %get3A_520 : i32 to index
        %get3A_522 = arith.index_cast %scan3A_444 : i32 to index
        %get3A_523 = arith.constant 80 : index
        %get3A_524 = tpu.vector_load %arg4[%get3A_521, %get3A_522, %get3A_523] {strides = array<i32>} : memref<2x32x200xi32, #tpu.memory_space<vmem>>, vector<16xi32>,
        %shift_right_logical3A_525 = arith.constant 2 : i32
        %shift_right_logical3A_526 = vector.broadcast %shift_right_logical3A_525 : i32 to vector<16xi32>
        %shift_right_logical3A_527 = arith.shrui %get3A_524, %shift_right_logical3A_526 : vector<16xi32>
        %and3A_528 = arith.constant 3 : i32
        %and3A_529 = vector.broadcast %and3A_528 : i32 to vector<16xi32>
        %and3A_530 = arith.andi %get3A_524, %and3A_529 : vector<16xi32>
        %shift_left3A_531 = arith.constant 3 : i32
        %shift_left3A_532 = vector.broadcast %shift_left3A_531 : i32 to vector<16xi32>
        %shift_left3A_533 = arith.shli %and3A_530, %shift_left3A_532 : vector<16xi32>
        %shift_left3A_534 = arith.shli %broadcast_in_dim3A_324, %shift_left3A_533 : vector<16xi32>
        tpu.vector_store_idx %arg5[%broadcast_in_dim3A_322, %add3A_448, %shift_right_logical3A_527], %shift_left3A_534 {add = true} : memref<2x32x256xi32, #tpu.memory_space<vmem>>[vector<16xi32>, vector<16xi32>, vector<16xi32>], vector<16xi32>,
        %get3A_535 = arith.constant 0 : i32
        %get3A_536 = arith.index_cast %get3A_535 : i32 to index
        %get3A_537 = arith.index_cast %scan3A_444 : i32 to index
        %get3A_538 = arith.constant 96 : index
        %get3A_539 = tpu.vector_load %arg4[%get3A_536, %get3A_537, %get3A_538] {strides = array<i32>} : memref<2x32x200xi32, #tpu.memory_space<vmem>>, vector<16xi32>,
        %shift_right_logical3A_540 = arith.constant 2 : i32
        %shift_right_logical3A_541 = vector.broadcast %shift_right_logical3A_540 : i32 to vector<16xi32>
        %shift_right_logical3A_542 = arith.shrui %get3A_539, %shift_right_logical3A_541 : vector<16xi32>
        %and3A_543 = arith.constant 3 : i32
        %and3A_544 = vector.broadcast %and3A_543 : i32 to vector<16xi32>
        %and3A_545 = arith.andi %get3A_539, %and3A_544 : vector<16xi32>
        %shift_left3A_546 = arith.constant 3 : i32
        %shift_left3A_547 = vector.broadcast %shift_left3A_546 : i32 to vector<16xi32>
        %shift_left3A_548 = arith.shli %and3A_545, %shift_left3A_547 : vector<16xi32>
        %shift_left3A_549 = arith.shli %broadcast_in_dim3A_324, %shift_left3A_548 : vector<16xi32>
        tpu.vector_store_idx %arg5[%broadcast_in_dim3A_322, %add3A_448, %shift_right_logical3A_542], %shift_left3A_549 {add = true} : memref<2x32x256xi32, #tpu.memory_space<vmem>>[vector<16xi32>, vector<16xi32>, vector<16xi32>], vector<16xi32>,
        %get3A_550 = arith.constant 0 : i32
        %get3A_551 = arith.index_cast %get3A_550 : i32 to index
        %get3A_552 = arith.index_cast %scan3A_444 : i32 to index
        %get3A_553 = arith.constant 112 : index
        %get3A_554 = tpu.vector_load %arg4[%get3A_551, %get3A_552, %get3A_553] {strides = array<i32>} : memref<2x32x200xi32, #tpu.memory_space<vmem>>, vector<16xi32>,
        %shift_right_logical3A_555 = arith.constant 2 : i32
        %shift_right_logical3A_556 = vector.broadcast %shift_right_logical3A_555 : i32 to vector<16xi32>
        %shift_right_logical3A_557 = arith.shrui %get3A_554, %shift_right_logical3A_556 : vector<16xi32>
        %and3A_558 = arith.constant 3 : i32
        %and3A_559 = vector.broadcast %and3A_558 : i32 to vector<16xi32>
        %and3A_560 = arith.andi %get3A_554, %and3A_559 : vector<16xi32>
        %shift_left3A_561 = arith.constant 3 : i32
        %shift_left3A_562 = vector.broadcast %shift_left3A_561 : i32 to vector<16xi32>
        %shift_left3A_563 = arith.shli %and3A_560, %shift_left3A_562 : vector<16xi32>
        %shift_left3A_564 = arith.shli %broadcast_in_dim3A_324, %shift_left3A_563 : vector<16xi32>
        tpu.vector_store_idx %arg5[%broadcast_in_dim3A_322, %add3A_448, %shift_right_logical3A_557], %shift_left3A_564 {add = true} : memref<2x32x256xi32, #tpu.memory_space<vmem>>[vector<16xi32>, vector<16xi32>, vector<16xi32>], vector<16xi32>,
        %get3A_565 = arith.constant 0 : i32
        %get3A_566 = arith.index_cast %get3A_565 : i32 to index
        %get3A_567 = arith.index_cast %scan3A_444 : i32 to index
        %get3A_568 = arith.constant 128 : index
        %get3A_569 = tpu.vector_load %arg4[%get3A_566, %get3A_567, %get3A_568] {strides = array<i32>} : memref<2x32x200xi32, #tpu.memory_space<vmem>>, vector<16xi32>,
        %shift_right_logical3A_570 = arith.constant 2 : i32
        %shift_right_logical3A_571 = vector.broadcast %shift_right_logical3A_570 : i32 to vector<16xi32>
        %shift_right_logical3A_572 = arith.shrui %get3A_569, %shift_right_logical3A_571 : vector<16xi32>
        %and3A_573 = arith.constant 3 : i32
        %and3A_574 = vector.broadcast %and3A_573 : i32 to vector<16xi32>
        %and3A_575 = arith.andi %get3A_569, %and3A_574 : vector<16xi32>
        %shift_left3A_576 = arith.constant 3 : i32
        %shift_left3A_577 = vector.broadcast %shift_left3A_576 : i32 to vector<16xi32>
        %shift_left3A_578 = arith.shli %and3A_575, %shift_left3A_577 : vector<16xi32>
        %shift_left3A_579 = arith.shli %broadcast_in_dim3A_324, %shift_left3A_578 : vector<16xi32>
        tpu.vector_store_idx %arg5[%broadcast_in_dim3A_322, %add3A_448, %shift_right_logical3A_572], %shift_left3A_579 {add = true} : memref<2x32x256xi32, #tpu.memory_space<vmem>>[vector<16xi32>, vector<16xi32>, vector<16xi32>], vector<16xi32>,
        %get3A_580 = arith.constant 0 : i32
        %get3A_581 = arith.index_cast %get3A_580 : i32 to index
        %get3A_582 = arith.index_cast %scan3A_444 : i32 to index
        %get3A_583 = arith.constant 144 : index
        %get3A_584 = tpu.vector_load %arg4[%get3A_581, %get3A_582, %get3A_583] {strides = array<i32>} : memref<2x32x200xi32, #tpu.memory_space<vmem>>, vector<16xi32>,
        %shift_right_logical3A_585 = arith.constant 2 : i32
        %shift_right_logical3A_586 = vector.broadcast %shift_right_logical3A_585 : i32 to vector<16xi32>
        %shift_right_logical3A_587 = arith.shrui %get3A_584, %shift_right_logical3A_586 : vector<16xi32>
        %and3A_588 = arith.constant 3 : i32
        %and3A_589 = vector.broadcast %and3A_588 : i32 to vector<16xi32>
        %and3A_590 = arith.andi %get3A_584, %and3A_589 : vector<16xi32>
        %shift_left3A_591 = arith.constant 3 : i32
        %shift_left3A_592 = vector.broadcast %shift_left3A_591 : i32 to vector<16xi32>
        %shift_left3A_593 = arith.shli %and3A_590, %shift_left3A_592 : vector<16xi32>
        %shift_left3A_594 = arith.shli %broadcast_in_dim3A_324, %shift_left3A_593 : vector<16xi32>
        tpu.vector_store_idx %arg5[%broadcast_in_dim3A_322, %add3A_448, %shift_right_logical3A_587], %shift_left3A_594 {add = true} : memref<2x32x256xi32, #tpu.memory_space<vmem>>[vector<16xi32>, vector<16xi32>, vector<16xi32>], vector<16xi32>,
        %get3A_595 = arith.constant 0 : i32
        %get3A_596 = arith.index_cast %get3A_595 : i32 to index
        %get3A_597 = arith.index_cast %scan3A_444 : i32 to index
        %get3A_598 = arith.constant 160 : index
        %get3A_599 = tpu.vector_load %arg4[%get3A_596, %get3A_597, %get3A_598] {strides = array<i32>} : memref<2x32x200xi32, #tpu.memory_space<vmem>>, vector<16xi32>,
        %shift_right_logical3A_600 = arith.constant 2 : i32
        %shift_right_logical3A_601 = vector.broadcast %shift_right_logical3A_600 : i32 to vector<16xi32>
        %shift_right_logical3A_602 = arith.shrui %get3A_599, %shift_right_logical3A_601 : vector<16xi32>
        %and3A_603 = arith.constant 3 : i32
        %and3A_604 = vector.broadcast %and3A_603 : i32 to vector<16xi32>
        %and3A_605 = arith.andi %get3A_599, %and3A_604 : vector<16xi32>
        %shift_left3A_606 = arith.constant 3 : i32
        %shift_left3A_607 = vector.broadcast %shift_left3A_606 : i32 to vector<16xi32>
        %shift_left3A_608 = arith.shli %and3A_605, %shift_left3A_607 : vector<16xi32>
        %shift_left3A_609 = arith.shli %broadcast_in_dim3A_324, %shift_left3A_608 : vector<16xi32>
        tpu.vector_store_idx %arg5[%broadcast_in_dim3A_322, %add3A_448, %shift_right_logical3A_602], %shift_left3A_609 {add = true} : memref<2x32x256xi32, #tpu.memory_space<vmem>>[vector<16xi32>, vector<16xi32>, vector<16xi32>], vector<16xi32>,
        %get3A_610 = arith.constant 0 : i32
        %get3A_611 = arith.index_cast %get3A_610 : i32 to index
        %get3A_612 = arith.index_cast %scan3A_444 : i32 to index
        %get3A_613 = arith.constant 176 : index
        %get3A_614 = tpu.vector_load %arg4[%get3A_611, %get3A_612, %get3A_613] {strides = array<i32>} : memref<2x32x200xi32, #tpu.memory_space<vmem>>, vector<16xi32>,
        %shift_right_logical3A_615 = arith.constant 2 : i32
        %shift_right_logical3A_616 = vector.broadcast %shift_right_logical3A_615 : i32 to vector<16xi32>
        %shift_right_logical3A_617 = arith.shrui %get3A_614, %shift_right_logical3A_616 : vector<16xi32>
        %and3A_618 = arith.constant 3 : i32
        %and3A_619 = vector.broadcast %and3A_618 : i32 to vector<16xi32>
        %and3A_620 = arith.andi %get3A_614, %and3A_619 : vector<16xi32>
        %shift_left3A_621 = arith.constant 3 : i32
        %shift_left3A_622 = vector.broadcast %shift_left3A_621 : i32 to vector<16xi32>
        %shift_left3A_623 = arith.shli %and3A_620, %shift_left3A_622 : vector<16xi32>
        %shift_left3A_624 = arith.shli %broadcast_in_dim3A_324, %shift_left3A_623 : vector<16xi32>
        tpu.vector_store_idx %arg5[%broadcast_in_dim3A_322, %add3A_448, %shift_right_logical3A_617], %shift_left3A_624 {add = true} : memref<2x32x256xi32, #tpu.memory_space<vmem>>[vector<16xi32>, vector<16xi32>, vector<16xi32>], vector<16xi32>,
        %get3A_625 = arith.constant 0 : i32
        %get3A_626 = arith.index_cast %get3A_625 : i32 to index
        %get3A_627 = arith.index_cast %scan3A_444 : i32 to index
        %get3A_628 = arith.constant 184 : index
        %get3A_629 = tpu.vector_load %arg4[%get3A_626, %get3A_627, %get3A_628] {strides = array<i32>} : memref<2x32x200xi32, #tpu.memory_space<vmem>>, vector<16xi32>,
        %shift_right_logical3A_630 = arith.constant 2 : i32
        %shift_right_logical3A_631 = vector.broadcast %shift_right_logical3A_630 : i32 to vector<16xi32>
        %shift_right_logical3A_632 = arith.shrui %get3A_629, %shift_right_logical3A_631 : vector<16xi32>
        %and3A_633 = arith.constant 3 : i32
        %and3A_634 = vector.broadcast %and3A_633 : i32 to vector<16xi32>
        %and3A_635 = arith.andi %get3A_629, %and3A_634 : vector<16xi32>
        %shift_left3A_636 = arith.constant 3 : i32
        %shift_left3A_637 = vector.broadcast %shift_left3A_636 : i32 to vector<16xi32>
        %shift_left3A_638 = arith.shli %and3A_635, %shift_left3A_637 : vector<16xi32>
        %shift_left3A_639 = arith.shli %broadcast_in_dim3A_324, %shift_left3A_638 : vector<16xi32>
        tpu.vector_store_idx %arg5[%broadcast_in_dim3A_322, %add3A_448, %shift_right_logical3A_632], %shift_left3A_639 masked %ge3A_5 {add = true} : memref<2x32x256xi32, #tpu.memory_space<vmem>>[vector<16xi32>, vector<16xi32>, vector<16xi32>], vector<16xi32>, vector<16xi1>
      }
      %scan3A_330 = arith.constant 32 : i32
      %mul3A_331 = arith.constant 32 : i32
      %mul3A_332 = arith.muli %add3A_293, %mul3A_331 : i32
      %add3A_333 = arith.addi %mul3A_2, %mul3A_332 : i32
      %dma_start3A_334 = arith.constant 0 : i32
      %dma_start3A_335 = arith.constant 0 : i32
      %dma_start3A_336 = arith.constant 0 : i32
      %dma_start3A_337 = tpu.memref_slice %arg5[%dma_start3A_334, %dma_start3A_335, %dma_start3A_336] : memref<2x32x256xi32, #tpu.memory_space<vmem>> -> memref<1x32x256xi32, #tpu.memory_space<vmem>>
      %dma_start3A_338 = tpu.memref_squeeze %dma_start3A_337 : memref<1x32x256xi32, #tpu.memory_space<vmem>> -> memref<32x256xi32, #tpu.memory_space<vmem>>
      %dma_start3A_339 = arith.constant 0 : i32
      %dma_start3A_340 = tpu.memref_slice %arg3[%add3A_333, %dma_start3A_339] : memref<16384x256xi32, #tpu.memory_space<hbm>> -> memref<32x256xi32, #tpu.memory_space<hbm>>
      %dma_start3A_341 = arith.constant 0 : i32
      %dma_start3A_342 = tpu.memref_slice %arg3[%add3A_333, %dma_start3A_341] : memref<16384x256xi32, #tpu.memory_space<hbm>> -> memref<32x256xi32, #tpu.memory_space<hbm>>
      %dma_start3A_343 = arith.constant 0 : i32
      %dma_start3A_344 = arith.constant 0 : i32
      %dma_start3A_345 = tpu.memref_slice %arg5[%dma_start3A_334, %dma_start3A_343, %dma_start3A_344] : memref<2x32x256xi32, #tpu.memory_space<vmem>> -> memref<1x32x256xi32, #tpu.memory_space<vmem>>
      %dma_start3A_346 = tpu.memref_squeeze %dma_start3A_345 : memref<1x32x256xi32, #tpu.memory_space<vmem>> -> memref<32x256xi32, #tpu.memory_space<vmem>>
      tpu.enqueue_dma source(%dma_start3A_346 : memref<32x256xi32, #tpu.memory_space<vmem>>) target(%dma_start3A_342 : memref<32x256xi32, #tpu.memory_space<hbm>>) target_semaphore(%arg7 : memref<!tpu.dma_semaphore, #tpu.memory_space<semaphore_mem>>)
      %add3A_347 = arith.constant 2 : i32
      %add3A_348 = arith.addi %add3A_293, %add3A_347 : i32
      %min3A_349 = arith.constant 15 : i32
      %min3A_350 = arith.minsi %add3A_348, %min3A_349 : i32
      %mul3A_351 = arith.constant 32 : i32
      %mul3A_352 = arith.muli %min3A_350, %mul3A_351 : i32
      %add3A_353 = arith.addi %mul3A_2, %mul3A_352 : i32
      %dma_start3A_354 = arith.constant 0 : i32
      %dma_start3A_355 = arith.constant 0 : i32
      %dma_start3A_356 = arith.constant 0 : i32
      %dma_start3A_357 = tpu.memref_slice %arg4[%dma_start3A_354, %dma_start3A_355, %dma_start3A_356] : memref<2x32x200xi32, #tpu.memory_space<vmem>> -> memref<1x32x200xi32, #tpu.memory_space<vmem>>
      %dma_start3A_358 = tpu.memref_squeeze %dma_start3A_357 : memref<1x32x200xi32, #tpu.memory_space<vmem>> -> memref<32x200xi32, #tpu.memory_space<vmem>>
      %dma_start3A_359 = arith.constant 0 : i32
      %dma_start3A_360 = tpu.memref_slice %arg2[%add3A_353, %dma_start3A_359] : memref<16384x200xi32, #tpu.memory_space<hbm>> -> memref<32x200xi32, #tpu.memory_space<hbm>>
      %dma_start3A_361 = arith.constant 0 : i32
      %dma_start3A_362 = arith.constant 0 : i32
      %dma_start3A_363 = tpu.memref_slice %arg4[%dma_start3A_354, %dma_start3A_361, %dma_start3A_362] : memref<2x32x200xi32, #tpu.memory_space<vmem>> -> memref<1x32x200xi32, #tpu.memory_space<vmem>>
      %dma_start3A_364 = tpu.memref_squeeze %dma_start3A_363 : memref<1x32x200xi32, #tpu.memory_space<vmem>> -> memref<32x200xi32, #tpu.memory_space<vmem>>
      %dma_start3A_365 = arith.constant 0 : i32
      %dma_start3A_366 = tpu.memref_slice %arg2[%add3A_353, %dma_start3A_365] : memref<16384x200xi32, #tpu.memory_space<hbm>> -> memref<32x200xi32, #tpu.memory_space<hbm>>
      tpu.enqueue_dma source(%dma_start3A_366 : memref<32x200xi32, #tpu.memory_space<hbm>>) target(%dma_start3A_364 : memref<32x200xi32, #tpu.memory_space<vmem>>) target_semaphore(%arg11 : memref<!tpu.dma_semaphore, #tpu.memory_space<semaphore_mem>>)
      %mul3A_367 = arith.constant 2 : i32
      %mul3A_368 = arith.muli %scan3A_228, %mul3A_367 : i32
      %add3A_369 = arith.constant 1 : i32
      %add3A_370 = arith.addi %mul3A_368, %add3A_369 : i32
      %dma_wait3A_371 = arith.constant 1 : i32
      %dma_wait3A_372 = arith.constant 0 : i32
      %dma_wait3A_373 = arith.constant 0 : i32
      %dma_wait3A_374 = tpu.memref_slice %arg5[%dma_wait3A_371, %dma_wait3A_372, %dma_wait3A_373] : memref<2x32x256xi32, #tpu.memory_space<vmem>> -> memref<1x32x256xi32, #tpu.memory_space<vmem>>
      %dma_wait3A_375 = tpu.memref_squeeze %dma_wait3A_374 : memref<1x32x256xi32, #tpu.memory_space<vmem>> -> memref<32x256xi32, #tpu.memory_space<vmem>>
      %dma_wait3A_376 = arith.constant 0 : i32
      %dma_wait3A_377 = arith.constant 0 : i32
      %dma_wait3A_378 = tpu.memref_slice %arg5[%dma_wait3A_371, %dma_wait3A_376, %dma_wait3A_377] : memref<2x32x256xi32, #tpu.memory_space<vmem>> -> memref<1x32x256xi32, #tpu.memory_space<vmem>>
      %dma_wait3A_379 = tpu.memref_squeeze %dma_wait3A_378 : memref<1x32x256xi32, #tpu.memory_space<vmem>> -> memref<32x256xi32, #tpu.memory_space<vmem>>
      tpu.wait_dma2 semaphore(%arg10 : memref<!tpu.dma_semaphore, #tpu.memory_space<semaphore_mem>>) src(%arg6 : memref<32x256xi32, #tpu.memory_space<vmem_shared>>) dst(%dma_wait3A_379 : memref<32x256xi32, #tpu.memory_space<vmem>>)
      %min3A_380 = arith.constant 15 : i32
      %min3A_381 = arith.minsi %add3A_370, %min3A_380 : i32
      %mul3A_382 = arith.constant 32 : i32
      %mul3A_383 = arith.muli %min3A_381, %mul3A_382 : i32
      %add3A_384 = arith.addi %mul3A_2, %mul3A_383 : i32
      %dma_wait3A_385 = arith.constant 1 : i32
      %dma_wait3A_386 = arith.constant 0 : i32
      %dma_wait3A_387 = arith.constant 0 : i32
      %dma_wait3A_388 = tpu.memref_slice %arg4[%dma_wait3A_385, %dma_wait3A_386, %dma_wait3A_387] : memref<2x32x200xi32, #tpu.memory_space<vmem>> -> memref<1x32x200xi32, #tpu.memory_space<vmem>>
      %dma_wait3A_389 = tpu.memref_squeeze %dma_wait3A_388 : memref<1x32x200xi32, #tpu.memory_space<vmem>> -> memref<32x200xi32, #tpu.memory_space<vmem>>
      %dma_wait3A_390 = arith.constant 0 : i32
      %dma_wait3A_391 = tpu.memref_slice %arg2[%add3A_384, %dma_wait3A_390] : memref<16384x200xi32, #tpu.memory_space<hbm>> -> memref<32x200xi32, #tpu.memory_space<hbm>>
      %dma_wait3A_392 = arith.constant 0 : i32
      %dma_wait3A_393 = arith.constant 0 : i32
      %dma_wait3A_394 = tpu.memref_slice %arg4[%dma_wait3A_385, %dma_wait3A_392, %dma_wait3A_393] : memref<2x32x200xi32, #tpu.memory_space<vmem>> -> memref<1x32x200xi32, #tpu.memory_space<vmem>>
      %dma_wait3A_395 = tpu.memref_squeeze %dma_wait3A_394 : memref<1x32x200xi32, #tpu.memory_space<vmem>> -> memref<32x200xi32, #tpu.memory_space<vmem>>
      %dma_wait3A_396 = arith.constant 0 : i32
      %dma_wait3A_397 = tpu.memref_slice %arg2[%add3A_384, %dma_wait3A_396] : memref<16384x200xi32, #tpu.memory_space<hbm>> -> memref<32x200xi32, #tpu.memory_space<hbm>>
      tpu.wait_dma2 semaphore(%arg12 : memref<!tpu.dma_semaphore, #tpu.memory_space<semaphore_mem>>) src(%dma_wait3A_397 : memref<32x200xi32, #tpu.memory_space<hbm>>) dst(%dma_wait3A_395 : memref<32x200xi32, #tpu.memory_space<vmem>>)
      %broadcast_in_dim3A_398 = arith.constant 1 : i32
      %broadcast_in_dim3A_399 = vector.broadcast %broadcast_in_dim3A_398 : i32 to vector<16xi32>
      %broadcast_in_dim3A_400 = arith.constant 1 : i32
      %broadcast_in_dim3A_401 = vector.broadcast %broadcast_in_dim3A_400 : i32 to vector<16xi32>
      %scan3A_402 = arith.constant 0 : i32
      %scan3A_403 = arith.constant 0 : i32
      %scan3A_404 = arith.constant 32 : i32
      %scan3A_405 = arith.addi %scan3A_403, %scan3A_404 : i32
      %scan3A_406 = arith.constant 1 : i32
      scf.for %scan3A_444 = %scan3A_403 to %scan3A_405 step %scan3A_406  : i32 {
        %broadcast_in_dim3A_445 = arith.constant 0 : i32
        %broadcast_in_dim3A_446 = vector.broadcast %broadcast_in_dim3A_445 : i32 to vector<16xi32>
        %add3A_447 = vector.broadcast %scan3A_444 : i32 to vector<16xi32>
        %add3A_448 = arith.addi %broadcast_in_dim3A_446, %add3A_447 : vector<16xi32>
        %get3A = arith.constant 1 : i32
        %get3A_449 = arith.index_cast %get3A : i32 to index
        %get3A_450 = arith.index_cast %scan3A_444 : i32 to index
        %get3A_451 = arith.constant 0 : index
        %get3A_452 = tpu.vector_load %arg4[%get3A_449, %get3A_450, %get3A_451] {strides = array<i32>} : memref<2x32x200xi32, #tpu.memory_space<vmem>>, vector<16xi32>,
        %shift_right_logical3A = arith.constant 2 : i32
        %shift_right_logical3A_453 = vector.broadcast %shift_right_logical3A : i32 to vector<16xi32>
        %shift_right_logical3A_454 = arith.shrui %get3A_452, %shift_right_logical3A_453 : vector<16xi32>
        %and3A = arith.constant 3 : i32
        %and3A_455 = vector.broadcast %and3A : i32 to vector<16xi32>
        %and3A_456 = arith.andi %get3A_452, %and3A_455 : vector<16xi32>
        %shift_left3A = arith.constant 3 : i32
        %shift_left3A_457 = vector.broadcast %shift_left3A : i32 to vector<16xi32>
        %shift_left3A_458 = arith.shli %and3A_456, %shift_left3A_457 : vector<16xi32>
        %shift_left3A_459 = arith.shli %broadcast_in_dim3A_401, %shift_left3A_458 : vector<16xi32>
        tpu.vector_store_idx %arg5[%broadcast_in_dim3A_399, %add3A_448, %shift_right_logical3A_454], %shift_left3A_459 {add = true} : memref<2x32x256xi32, #tpu.memory_space<vmem>>[vector<16xi32>, vector<16xi32>, vector<16xi32>], vector<16xi32>,
        %get3A_460 = arith.constant 1 : i32
        %get3A_461 = arith.index_cast %get3A_460 : i32 to index
        %get3A_462 = arith.index_cast %scan3A_444 : i32 to index
        %get3A_463 = arith.constant 16 : index
        %get3A_464 = tpu.vector_load %arg4[%get3A_461, %get3A_462, %get3A_463] {strides = array<i32>} : memref<2x32x200xi32, #tpu.memory_space<vmem>>, vector<16xi32>,
        %shift_right_logical3A_465 = arith.constant 2 : i32
        %shift_right_logical3A_466 = vector.broadcast %shift_right_logical3A_465 : i32 to vector<16xi32>
        %shift_right_logical3A_467 = arith.shrui %get3A_464, %shift_right_logical3A_466 : vector<16xi32>
        %and3A_468 = arith.constant 3 : i32
        %and3A_469 = vector.broadcast %and3A_468 : i32 to vector<16xi32>
        %and3A_470 = arith.andi %get3A_464, %and3A_469 : vector<16xi32>
        %shift_left3A_471 = arith.constant 3 : i32
        %shift_left3A_472 = vector.broadcast %shift_left3A_471 : i32 to vector<16xi32>
        %shift_left3A_473 = arith.shli %and3A_470, %shift_left3A_472 : vector<16xi32>
        %shift_left3A_474 = arith.shli %broadcast_in_dim3A_401, %shift_left3A_473 : vector<16xi32>
        tpu.vector_store_idx %arg5[%broadcast_in_dim3A_399, %add3A_448, %shift_right_logical3A_467], %shift_left3A_474 {add = true} : memref<2x32x256xi32, #tpu.memory_space<vmem>>[vector<16xi32>, vector<16xi32>, vector<16xi32>], vector<16xi32>,
        %get3A_475 = arith.constant 1 : i32
        %get3A_476 = arith.index_cast %get3A_475 : i32 to index
        %get3A_477 = arith.index_cast %scan3A_444 : i32 to index
        %get3A_478 = arith.constant 32 : index
        %get3A_479 = tpu.vector_load %arg4[%get3A_476, %get3A_477, %get3A_478] {strides = array<i32>} : memref<2x32x200xi32, #tpu.memory_space<vmem>>, vector<16xi32>,
        %shift_right_logical3A_480 = arith.constant 2 : i32
        %shift_right_logical3A_481 = vector.broadcast %shift_right_logical3A_480 : i32 to vector<16xi32>
        %shift_right_logical3A_482 = arith.shrui %get3A_479, %shift_right_logical3A_481 : vector<16xi32>
        %and3A_483 = arith.constant 3 : i32
        %and3A_484 = vector.broadcast %and3A_483 : i32 to vector<16xi32>
        %and3A_485 = arith.andi %get3A_479, %and3A_484 : vector<16xi32>
        %shift_left3A_486 = arith.constant 3 : i32
        %shift_left3A_487 = vector.broadcast %shift_left3A_486 : i32 to vector<16xi32>
        %shift_left3A_488 = arith.shli %and3A_485, %shift_left3A_487 : vector<16xi32>
        %shift_left3A_489 = arith.shli %broadcast_in_dim3A_401, %shift_left3A_488 : vector<16xi32>
        tpu.vector_store_idx %arg5[%broadcast_in_dim3A_399, %add3A_448, %shift_right_logical3A_482], %shift_left3A_489 {add = true} : memref<2x32x256xi32, #tpu.memory_space<vmem>>[vector<16xi32>, vector<16xi32>, vector<16xi32>], vector<16xi32>,
        %get3A_490 = arith.constant 1 : i32
        %get3A_491 = arith.index_cast %get3A_490 : i32 to index
        %get3A_492 = arith.index_cast %scan3A_444 : i32 to index
        %get3A_493 = arith.constant 48 : index
        %get3A_494 = tpu.vector_load %arg4[%get3A_491, %get3A_492, %get3A_493] {strides = array<i32>} : memref<2x32x200xi32, #tpu.memory_space<vmem>>, vector<16xi32>,
        %shift_right_logical3A_495 = arith.constant 2 : i32
        %shift_right_logical3A_496 = vector.broadcast %shift_right_logical3A_495 : i32 to vector<16xi32>
        %shift_right_logical3A_497 = arith.shrui %get3A_494, %shift_right_logical3A_496 : vector<16xi32>
        %and3A_498 = arith.constant 3 : i32
        %and3A_499 = vector.broadcast %and3A_498 : i32 to vector<16xi32>
        %and3A_500 = arith.andi %get3A_494, %and3A_499 : vector<16xi32>
        %shift_left3A_501 = arith.constant 3 : i32
        %shift_left3A_502 = vector.broadcast %shift_left3A_501 : i32 to vector<16xi32>
        %shift_left3A_503 = arith.shli %and3A_500, %shift_left3A_502 : vector<16xi32>
        %shift_left3A_504 = arith.shli %broadcast_in_dim3A_401, %shift_left3A_503 : vector<16xi32>
        tpu.vector_store_idx %arg5[%broadcast_in_dim3A_399, %add3A_448, %shift_right_logical3A_497], %shift_left3A_504 {add = true} : memref<2x32x256xi32, #tpu.memory_space<vmem>>[vector<16xi32>, vector<16xi32>, vector<16xi32>], vector<16xi32>,
        %get3A_505 = arith.constant 1 : i32
        %get3A_506 = arith.index_cast %get3A_505 : i32 to index
        %get3A_507 = arith.index_cast %scan3A_444 : i32 to index
        %get3A_508 = arith.constant 64 : index
        %get3A_509 = tpu.vector_load %arg4[%get3A_506, %get3A_507, %get3A_508] {strides = array<i32>} : memref<2x32x200xi32, #tpu.memory_space<vmem>>, vector<16xi32>,
        %shift_right_logical3A_510 = arith.constant 2 : i32
        %shift_right_logical3A_511 = vector.broadcast %shift_right_logical3A_510 : i32 to vector<16xi32>
        %shift_right_logical3A_512 = arith.shrui %get3A_509, %shift_right_logical3A_511 : vector<16xi32>
        %and3A_513 = arith.constant 3 : i32
        %and3A_514 = vector.broadcast %and3A_513 : i32 to vector<16xi32>
        %and3A_515 = arith.andi %get3A_509, %and3A_514 : vector<16xi32>
        %shift_left3A_516 = arith.constant 3 : i32
        %shift_left3A_517 = vector.broadcast %shift_left3A_516 : i32 to vector<16xi32>
        %shift_left3A_518 = arith.shli %and3A_515, %shift_left3A_517 : vector<16xi32>
        %shift_left3A_519 = arith.shli %broadcast_in_dim3A_401, %shift_left3A_518 : vector<16xi32>
        tpu.vector_store_idx %arg5[%broadcast_in_dim3A_399, %add3A_448, %shift_right_logical3A_512], %shift_left3A_519 {add = true} : memref<2x32x256xi32, #tpu.memory_space<vmem>>[vector<16xi32>, vector<16xi32>, vector<16xi32>], vector<16xi32>,
        %get3A_520 = arith.constant 1 : i32
        %get3A_521 = arith.index_cast %get3A_520 : i32 to index
        %get3A_522 = arith.index_cast %scan3A_444 : i32 to index
        %get3A_523 = arith.constant 80 : index
        %get3A_524 = tpu.vector_load %arg4[%get3A_521, %get3A_522, %get3A_523] {strides = array<i32>} : memref<2x32x200xi32, #tpu.memory_space<vmem>>, vector<16xi32>,
        %shift_right_logical3A_525 = arith.constant 2 : i32
        %shift_right_logical3A_526 = vector.broadcast %shift_right_logical3A_525 : i32 to vector<16xi32>
        %shift_right_logical3A_527 = arith.shrui %get3A_524, %shift_right_logical3A_526 : vector<16xi32>
        %and3A_528 = arith.constant 3 : i32
        %and3A_529 = vector.broadcast %and3A_528 : i32 to vector<16xi32>
        %and3A_530 = arith.andi %get3A_524, %and3A_529 : vector<16xi32>
        %shift_left3A_531 = arith.constant 3 : i32
        %shift_left3A_532 = vector.broadcast %shift_left3A_531 : i32 to vector<16xi32>
        %shift_left3A_533 = arith.shli %and3A_530, %shift_left3A_532 : vector<16xi32>
        %shift_left3A_534 = arith.shli %broadcast_in_dim3A_401, %shift_left3A_533 : vector<16xi32>
        tpu.vector_store_idx %arg5[%broadcast_in_dim3A_399, %add3A_448, %shift_right_logical3A_527], %shift_left3A_534 {add = true} : memref<2x32x256xi32, #tpu.memory_space<vmem>>[vector<16xi32>, vector<16xi32>, vector<16xi32>], vector<16xi32>,
        %get3A_535 = arith.constant 1 : i32
        %get3A_536 = arith.index_cast %get3A_535 : i32 to index
        %get3A_537 = arith.index_cast %scan3A_444 : i32 to index
        %get3A_538 = arith.constant 96 : index
        %get3A_539 = tpu.vector_load %arg4[%get3A_536, %get3A_537, %get3A_538] {strides = array<i32>} : memref<2x32x200xi32, #tpu.memory_space<vmem>>, vector<16xi32>,
        %shift_right_logical3A_540 = arith.constant 2 : i32
        %shift_right_logical3A_541 = vector.broadcast %shift_right_logical3A_540 : i32 to vector<16xi32>
        %shift_right_logical3A_542 = arith.shrui %get3A_539, %shift_right_logical3A_541 : vector<16xi32>
        %and3A_543 = arith.constant 3 : i32
        %and3A_544 = vector.broadcast %and3A_543 : i32 to vector<16xi32>
        %and3A_545 = arith.andi %get3A_539, %and3A_544 : vector<16xi32>
        %shift_left3A_546 = arith.constant 3 : i32
        %shift_left3A_547 = vector.broadcast %shift_left3A_546 : i32 to vector<16xi32>
        %shift_left3A_548 = arith.shli %and3A_545, %shift_left3A_547 : vector<16xi32>
        %shift_left3A_549 = arith.shli %broadcast_in_dim3A_401, %shift_left3A_548 : vector<16xi32>
        tpu.vector_store_idx %arg5[%broadcast_in_dim3A_399, %add3A_448, %shift_right_logical3A_542], %shift_left3A_549 {add = true} : memref<2x32x256xi32, #tpu.memory_space<vmem>>[vector<16xi32>, vector<16xi32>, vector<16xi32>], vector<16xi32>,
        %get3A_550 = arith.constant 1 : i32
        %get3A_551 = arith.index_cast %get3A_550 : i32 to index
        %get3A_552 = arith.index_cast %scan3A_444 : i32 to index
        %get3A_553 = arith.constant 112 : index
        %get3A_554 = tpu.vector_load %arg4[%get3A_551, %get3A_552, %get3A_553] {strides = array<i32>} : memref<2x32x200xi32, #tpu.memory_space<vmem>>, vector<16xi32>,
        %shift_right_logical3A_555 = arith.constant 2 : i32
        %shift_right_logical3A_556 = vector.broadcast %shift_right_logical3A_555 : i32 to vector<16xi32>
        %shift_right_logical3A_557 = arith.shrui %get3A_554, %shift_right_logical3A_556 : vector<16xi32>
        %and3A_558 = arith.constant 3 : i32
        %and3A_559 = vector.broadcast %and3A_558 : i32 to vector<16xi32>
        %and3A_560 = arith.andi %get3A_554, %and3A_559 : vector<16xi32>
        %shift_left3A_561 = arith.constant 3 : i32
        %shift_left3A_562 = vector.broadcast %shift_left3A_561 : i32 to vector<16xi32>
        %shift_left3A_563 = arith.shli %and3A_560, %shift_left3A_562 : vector<16xi32>
        %shift_left3A_564 = arith.shli %broadcast_in_dim3A_401, %shift_left3A_563 : vector<16xi32>
        tpu.vector_store_idx %arg5[%broadcast_in_dim3A_399, %add3A_448, %shift_right_logical3A_557], %shift_left3A_564 {add = true} : memref<2x32x256xi32, #tpu.memory_space<vmem>>[vector<16xi32>, vector<16xi32>, vector<16xi32>], vector<16xi32>,
        %get3A_565 = arith.constant 1 : i32
        %get3A_566 = arith.index_cast %get3A_565 : i32 to index
        %get3A_567 = arith.index_cast %scan3A_444 : i32 to index
        %get3A_568 = arith.constant 128 : index
        %get3A_569 = tpu.vector_load %arg4[%get3A_566, %get3A_567, %get3A_568] {strides = array<i32>} : memref<2x32x200xi32, #tpu.memory_space<vmem>>, vector<16xi32>,
        %shift_right_logical3A_570 = arith.constant 2 : i32
        %shift_right_logical3A_571 = vector.broadcast %shift_right_logical3A_570 : i32 to vector<16xi32>
        %shift_right_logical3A_572 = arith.shrui %get3A_569, %shift_right_logical3A_571 : vector<16xi32>
        %and3A_573 = arith.constant 3 : i32
        %and3A_574 = vector.broadcast %and3A_573 : i32 to vector<16xi32>
        %and3A_575 = arith.andi %get3A_569, %and3A_574 : vector<16xi32>
        %shift_left3A_576 = arith.constant 3 : i32
        %shift_left3A_577 = vector.broadcast %shift_left3A_576 : i32 to vector<16xi32>
        %shift_left3A_578 = arith.shli %and3A_575, %shift_left3A_577 : vector<16xi32>
        %shift_left3A_579 = arith.shli %broadcast_in_dim3A_401, %shift_left3A_578 : vector<16xi32>
        tpu.vector_store_idx %arg5[%broadcast_in_dim3A_399, %add3A_448, %shift_right_logical3A_572], %shift_left3A_579 {add = true} : memref<2x32x256xi32, #tpu.memory_space<vmem>>[vector<16xi32>, vector<16xi32>, vector<16xi32>], vector<16xi32>,
        %get3A_580 = arith.constant 1 : i32
        %get3A_581 = arith.index_cast %get3A_580 : i32 to index
        %get3A_582 = arith.index_cast %scan3A_444 : i32 to index
        %get3A_583 = arith.constant 144 : index
        %get3A_584 = tpu.vector_load %arg4[%get3A_581, %get3A_582, %get3A_583] {strides = array<i32>} : memref<2x32x200xi32, #tpu.memory_space<vmem>>, vector<16xi32>,
        %shift_right_logical3A_585 = arith.constant 2 : i32
        %shift_right_logical3A_586 = vector.broadcast %shift_right_logical3A_585 : i32 to vector<16xi32>
        %shift_right_logical3A_587 = arith.shrui %get3A_584, %shift_right_logical3A_586 : vector<16xi32>
        %and3A_588 = arith.constant 3 : i32
        %and3A_589 = vector.broadcast %and3A_588 : i32 to vector<16xi32>
        %and3A_590 = arith.andi %get3A_584, %and3A_589 : vector<16xi32>
        %shift_left3A_591 = arith.constant 3 : i32
        %shift_left3A_592 = vector.broadcast %shift_left3A_591 : i32 to vector<16xi32>
        %shift_left3A_593 = arith.shli %and3A_590, %shift_left3A_592 : vector<16xi32>
        %shift_left3A_594 = arith.shli %broadcast_in_dim3A_401, %shift_left3A_593 : vector<16xi32>
        tpu.vector_store_idx %arg5[%broadcast_in_dim3A_399, %add3A_448, %shift_right_logical3A_587], %shift_left3A_594 {add = true} : memref<2x32x256xi32, #tpu.memory_space<vmem>>[vector<16xi32>, vector<16xi32>, vector<16xi32>], vector<16xi32>,
        %get3A_595 = arith.constant 1 : i32
        %get3A_596 = arith.index_cast %get3A_595 : i32 to index
        %get3A_597 = arith.index_cast %scan3A_444 : i32 to index
        %get3A_598 = arith.constant 160 : index
        %get3A_599 = tpu.vector_load %arg4[%get3A_596, %get3A_597, %get3A_598] {strides = array<i32>} : memref<2x32x200xi32, #tpu.memory_space<vmem>>, vector<16xi32>,
        %shift_right_logical3A_600 = arith.constant 2 : i32
        %shift_right_logical3A_601 = vector.broadcast %shift_right_logical3A_600 : i32 to vector<16xi32>
        %shift_right_logical3A_602 = arith.shrui %get3A_599, %shift_right_logical3A_601 : vector<16xi32>
        %and3A_603 = arith.constant 3 : i32
        %and3A_604 = vector.broadcast %and3A_603 : i32 to vector<16xi32>
        %and3A_605 = arith.andi %get3A_599, %and3A_604 : vector<16xi32>
        %shift_left3A_606 = arith.constant 3 : i32
        %shift_left3A_607 = vector.broadcast %shift_left3A_606 : i32 to vector<16xi32>
        %shift_left3A_608 = arith.shli %and3A_605, %shift_left3A_607 : vector<16xi32>
        %shift_left3A_609 = arith.shli %broadcast_in_dim3A_401, %shift_left3A_608 : vector<16xi32>
        tpu.vector_store_idx %arg5[%broadcast_in_dim3A_399, %add3A_448, %shift_right_logical3A_602], %shift_left3A_609 {add = true} : memref<2x32x256xi32, #tpu.memory_space<vmem>>[vector<16xi32>, vector<16xi32>, vector<16xi32>], vector<16xi32>,
        %get3A_610 = arith.constant 1 : i32
        %get3A_611 = arith.index_cast %get3A_610 : i32 to index
        %get3A_612 = arith.index_cast %scan3A_444 : i32 to index
        %get3A_613 = arith.constant 176 : index
        %get3A_614 = tpu.vector_load %arg4[%get3A_611, %get3A_612, %get3A_613] {strides = array<i32>} : memref<2x32x200xi32, #tpu.memory_space<vmem>>, vector<16xi32>,
        %shift_right_logical3A_615 = arith.constant 2 : i32
        %shift_right_logical3A_616 = vector.broadcast %shift_right_logical3A_615 : i32 to vector<16xi32>
        %shift_right_logical3A_617 = arith.shrui %get3A_614, %shift_right_logical3A_616 : vector<16xi32>
        %and3A_618 = arith.constant 3 : i32
        %and3A_619 = vector.broadcast %and3A_618 : i32 to vector<16xi32>
        %and3A_620 = arith.andi %get3A_614, %and3A_619 : vector<16xi32>
        %shift_left3A_621 = arith.constant 3 : i32
        %shift_left3A_622 = vector.broadcast %shift_left3A_621 : i32 to vector<16xi32>
        %shift_left3A_623 = arith.shli %and3A_620, %shift_left3A_622 : vector<16xi32>
        %shift_left3A_624 = arith.shli %broadcast_in_dim3A_401, %shift_left3A_623 : vector<16xi32>
        tpu.vector_store_idx %arg5[%broadcast_in_dim3A_399, %add3A_448, %shift_right_logical3A_617], %shift_left3A_624 {add = true} : memref<2x32x256xi32, #tpu.memory_space<vmem>>[vector<16xi32>, vector<16xi32>, vector<16xi32>], vector<16xi32>,
        %get3A_625 = arith.constant 1 : i32
        %get3A_626 = arith.index_cast %get3A_625 : i32 to index
        %get3A_627 = arith.index_cast %scan3A_444 : i32 to index
        %get3A_628 = arith.constant 184 : index
        %get3A_629 = tpu.vector_load %arg4[%get3A_626, %get3A_627, %get3A_628] {strides = array<i32>} : memref<2x32x200xi32, #tpu.memory_space<vmem>>, vector<16xi32>,
        %shift_right_logical3A_630 = arith.constant 2 : i32
        %shift_right_logical3A_631 = vector.broadcast %shift_right_logical3A_630 : i32 to vector<16xi32>
        %shift_right_logical3A_632 = arith.shrui %get3A_629, %shift_right_logical3A_631 : vector<16xi32>
        %and3A_633 = arith.constant 3 : i32
        %and3A_634 = vector.broadcast %and3A_633 : i32 to vector<16xi32>
        %and3A_635 = arith.andi %get3A_629, %and3A_634 : vector<16xi32>
        %shift_left3A_636 = arith.constant 3 : i32
        %shift_left3A_637 = vector.broadcast %shift_left3A_636 : i32 to vector<16xi32>
        %shift_left3A_638 = arith.shli %and3A_635, %shift_left3A_637 : vector<16xi32>
        %shift_left3A_639 = arith.shli %broadcast_in_dim3A_401, %shift_left3A_638 : vector<16xi32>
        tpu.vector_store_idx %arg5[%broadcast_in_dim3A_399, %add3A_448, %shift_right_logical3A_632], %shift_left3A_639 masked %ge3A_5 {add = true} : memref<2x32x256xi32, #tpu.memory_space<vmem>>[vector<16xi32>, vector<16xi32>, vector<16xi32>], vector<16xi32>, vector<16xi1>
      }
      %scan3A_407 = arith.constant 32 : i32
      %mul3A_408 = arith.constant 32 : i32
      %mul3A_409 = arith.muli %add3A_370, %mul3A_408 : i32
      %add3A_410 = arith.addi %mul3A_2, %mul3A_409 : i32
      %dma_start3A_411 = arith.constant 1 : i32
      %dma_start3A_412 = arith.constant 0 : i32
      %dma_start3A_413 = arith.constant 0 : i32
      %dma_start3A_414 = tpu.memref_slice %arg5[%dma_start3A_411, %dma_start3A_412, %dma_start3A_413] : memref<2x32x256xi32, #tpu.memory_space<vmem>> -> memref<1x32x256xi32, #tpu.memory_space<vmem>>
      %dma_start3A_415 = tpu.memref_squeeze %dma_start3A_414 : memref<1x32x256xi32, #tpu.memory_space<vmem>> -> memref<32x256xi32, #tpu.memory_space<vmem>>
      %dma_start3A_416 = arith.constant 0 : i32
      %dma_start3A_417 = tpu.memref_slice %arg3[%add3A_410, %dma_start3A_416] : memref<16384x256xi32, #tpu.memory_space<hbm>> -> memref<32x256xi32, #tpu.memory_space<hbm>>
      %dma_start3A_418 = arith.constant 0 : i32
      %dma_start3A_419 = tpu.memref_slice %arg3[%add3A_410, %dma_start3A_418] : memref<16384x256xi32, #tpu.memory_space<hbm>> -> memref<32x256xi32, #tpu.memory_space<hbm>>
      %dma_start3A_420 = arith.constant 0 : i32
      %dma_start3A_421 = arith.constant 0 : i32
      %dma_start3A_422 = tpu.memref_slice %arg5[%dma_start3A_411, %dma_start3A_420, %dma_start3A_421] : memref<2x32x256xi32, #tpu.memory_space<vmem>> -> memref<1x32x256xi32, #tpu.memory_space<vmem>>
      %dma_start3A_423 = tpu.memref_squeeze %dma_start3A_422 : memref<1x32x256xi32, #tpu.memory_space<vmem>> -> memref<32x256xi32, #tpu.memory_space<vmem>>
      tpu.enqueue_dma source(%dma_start3A_423 : memref<32x256xi32, #tpu.memory_space<vmem>>) target(%dma_start3A_419 : memref<32x256xi32, #tpu.memory_space<hbm>>) target_semaphore(%arg8 : memref<!tpu.dma_semaphore, #tpu.memory_space<semaphore_mem>>)
      %add3A_424 = arith.constant 2 : i32
      %add3A_425 = arith.addi %add3A_370, %add3A_424 : i32
      %min3A_426 = arith.constant 15 : i32
      %min3A_427 = arith.minsi %add3A_425, %min3A_426 : i32
      %mul3A_428 = arith.constant 32 : i32
      %mul3A_429 = arith.muli %min3A_427, %mul3A_428 : i32
      %add3A_430 = arith.addi %mul3A_2, %mul3A_429 : i32
      %dma_start3A_431 = arith.constant 1 : i32
      %dma_start3A_432 = arith.constant 0 : i32
      %dma_start3A_433 = arith.constant 0 : i32
      %dma_start3A_434 = tpu.memref_slice %arg4[%dma_start3A_431, %dma_start3A_432, %dma_start3A_433] : memref<2x32x200xi32, #tpu.memory_space<vmem>> -> memref<1x32x200xi32, #tpu.memory_space<vmem>>
      %dma_start3A_435 = tpu.memref_squeeze %dma_start3A_434 : memref<1x32x200xi32, #tpu.memory_space<vmem>> -> memref<32x200xi32, #tpu.memory_space<vmem>>
      %dma_start3A_436 = arith.constant 0 : i32
      %dma_start3A_437 = tpu.memref_slice %arg2[%add3A_430, %dma_start3A_436] : memref<16384x200xi32, #tpu.memory_space<hbm>> -> memref<32x200xi32, #tpu.memory_space<hbm>>
      %dma_start3A_438 = arith.constant 0 : i32
      %dma_start3A_439 = arith.constant 0 : i32
      %dma_start3A_440 = tpu.memref_slice %arg4[%dma_start3A_431, %dma_start3A_438, %dma_start3A_439] : memref<2x32x200xi32, #tpu.memory_space<vmem>> -> memref<1x32x200xi32, #tpu.memory_space<vmem>>
      %dma_start3A_441 = tpu.memref_squeeze %dma_start3A_440 : memref<1x32x200xi32, #tpu.memory_space<vmem>> -> memref<32x200xi32, #tpu.memory_space<vmem>>
      %dma_start3A_442 = arith.constant 0 : i32
      %dma_start3A_443 = tpu.memref_slice %arg2[%add3A_430, %dma_start3A_442] : memref<16384x200xi32, #tpu.memory_space<hbm>> -> memref<32x200xi32, #tpu.memory_space<hbm>>
      tpu.enqueue_dma source(%dma_start3A_443 : memref<32x200xi32, #tpu.memory_space<hbm>>) target(%dma_start3A_441 : memref<32x200xi32, #tpu.memory_space<vmem>>) target_semaphore(%arg12 : memref<!tpu.dma_semaphore, #tpu.memory_space<semaphore_mem>>)
    }
    %scan3A_197 = arith.constant 7 : i32
    %add3A_198 = arith.constant 448 : i32
    %add3A_199 = arith.addi %mul3A_2, %add3A_198 : i32
    %dma_wait3A_200 = arith.constant 0 : i32
    %dma_wait3A_201 = arith.constant 0 : i32
    %dma_wait3A_202 = arith.constant 0 : i32
    %dma_wait3A_203 = tpu.memref_slice %arg5[%dma_wait3A_200, %dma_wait3A_201, %dma_wait3A_202] : memref<2x32x256xi32, #tpu.memory_space<vmem>> -> memref<1x32x256xi32, #tpu.memory_space<vmem>>
    %dma_wait3A_204 = tpu.memref_squeeze %dma_wait3A_203 : memref<1x32x256xi32, #tpu.memory_space<vmem>> -> memref<32x256xi32, #tpu.memory_space<vmem>>
    %dma_wait3A_205 = arith.constant 0 : i32
    %dma_wait3A_206 = tpu.memref_slice %arg3[%add3A_199, %dma_wait3A_205] : memref<16384x256xi32, #tpu.memory_space<hbm>> -> memref<32x256xi32, #tpu.memory_space<hbm>>
    %dma_wait3A_207 = arith.constant 0 : i32
    %dma_wait3A_208 = tpu.memref_slice %arg3[%add3A_199, %dma_wait3A_207] : memref<16384x256xi32, #tpu.memory_space<hbm>> -> memref<32x256xi32, #tpu.memory_space<hbm>>
    %dma_wait3A_209 = arith.constant 0 : i32
    %dma_wait3A_210 = arith.constant 0 : i32
    %dma_wait3A_211 = tpu.memref_slice %arg5[%dma_wait3A_200, %dma_wait3A_209, %dma_wait3A_210] : memref<2x32x256xi32, #tpu.memory_space<vmem>> -> memref<1x32x256xi32, #tpu.memory_space<vmem>>
    %dma_wait3A_212 = tpu.memref_squeeze %dma_wait3A_211 : memref<1x32x256xi32, #tpu.memory_space<vmem>> -> memref<32x256xi32, #tpu.memory_space<vmem>>
    tpu.wait_dma2 semaphore(%arg7 : memref<!tpu.dma_semaphore, #tpu.memory_space<semaphore_mem>>) src(%dma_wait3A_212 : memref<32x256xi32, #tpu.memory_space<vmem>>) dst(%dma_wait3A_208 : memref<32x256xi32, #tpu.memory_space<hbm>>)
    %add3A_213 = arith.constant 480 : i32
    %add3A_214 = arith.addi %mul3A_2, %add3A_213 : i32
    %dma_wait3A_215 = arith.constant 1 : i32
    %dma_wait3A_216 = arith.constant 0 : i32
    %dma_wait3A_217 = arith.constant 0 : i32
    %dma_wait3A_218 = tpu.memref_slice %arg5[%dma_wait3A_215, %dma_wait3A_216, %dma_wait3A_217] : memref<2x32x256xi32, #tpu.memory_space<vmem>> -> memref<1x32x256xi32, #tpu.memory_space<vmem>>
    %dma_wait3A_219 = tpu.memref_squeeze %dma_wait3A_218 : memref<1x32x256xi32, #tpu.memory_space<vmem>> -> memref<32x256xi32, #tpu.memory_space<vmem>>
    %dma_wait3A_220 = arith.constant 0 : i32
    %dma_wait3A_221 = tpu.memref_slice %arg3[%add3A_214, %dma_wait3A_220] : memref<16384x256xi32, #tpu.memory_space<hbm>> -> memref<32x256xi32, #tpu.memory_space<hbm>>
    %dma_wait3A_222 = arith.constant 0 : i32
    %dma_wait3A_223 = tpu.memref_slice %arg3[%add3A_214, %dma_wait3A_222] : memref<16384x256xi32, #tpu.memory_space<hbm>> -> memref<32x256xi32, #tpu.memory_space<hbm>>
    %dma_wait3A_224 = arith.constant 0 : i32
    %dma_wait3A_225 = arith.constant 0 : i32
    %dma_wait3A_226 = tpu.memref_slice %arg5[%dma_wait3A_215, %dma_wait3A_224, %dma_wait3A_225] : memref<2x32x256xi32, #tpu.memory_space<vmem>> -> memref<1x32x256xi32, #tpu.memory_space<vmem>>
    %dma_wait3A_227 = tpu.memref_squeeze %dma_wait3A_226 : memref<1x32x256xi32, #tpu.memory_space<vmem>> -> memref<32x256xi32, #tpu.memory_space<vmem>>
    tpu.wait_dma2 semaphore(%arg8 : memref<!tpu.dma_semaphore, #tpu.memory_space<semaphore_mem>>) src(%dma_wait3A_227 : memref<32x256xi32, #tpu.memory_space<vmem>>) dst(%dma_wait3A_223 : memref<32x256xi32, #tpu.memory_space<hbm>>)
    return
  }
}

module attributes {stable_mosaic.version = 14 : i64} {
  func.func @_mm_body(%arg0: i32, %arg1: memref<2048x256xi32, #tpu.memory_space<vmem>>, %arg2: memref<1024x64xbf16, #tpu.memory_space<vmem>>, %arg3: memref<2048x64xf32, #tpu.memory_space<vmem>>) attributes {dimension_semantics = [#tpu.dimension_semantics<arbitrary>], iteration_bounds = array<i64: 8>, scalar_prefetch = 0 : i64, scratch_operands = 0 : i64, tpu.core_type = #tpu.core_type<tc>, window_params = [{transform_indices = @transform_0, window_bounds = array<i64: 2048, 256>}, {pipeline_mode = #tpu.pipeline_mode<synchronous>, transform_indices = @transform_1, window_bounds = array<i64: 1024, 64>}, {transform_indices = @transform_2, window_bounds = array<i64: 2048, 64>}]} {
    %get3A = arith.constant 0 : index
    %get3A_0 = arith.constant 0 : index
    %get3A_1 = vector.load %arg1[%get3A, %get3A_0] : memref<2048x256xi32, #tpu.memory_space<vmem>>, vector<2048x256xi32>
    %broadcast_in_dim3A = arith.constant 0.000000e+00 : f32
    %broadcast_in_dim3A_2 = vector.broadcast %broadcast_in_dim3A : f32 to vector<2048x64xf32>
    %shift_right_arithmetic3A = arith.constant 0 : i32
    %shift_right_arithmetic3A_3 = vector.broadcast %shift_right_arithmetic3A : i32 to vector<2048x256xi32>
    %shift_right_arithmetic3A_4 = arith.shrsi %get3A_1, %shift_right_arithmetic3A_3 : vector<2048x256xi32>
    %and3A = arith.constant 255 : i32
    %and3A_5 = vector.broadcast %and3A : i32 to vector<2048x256xi32>
    %and3A_6 = arith.andi %shift_right_arithmetic3A_4, %and3A_5 : vector<2048x256xi32>
    %convert_element_type3A = arith.sitofp %and3A_6 : vector<2048x256xi32> to vector<2048x256xbf16>
    %get3A_7 = arith.constant 0 : index
    %get3A_8 = arith.constant 0 : index
    %get3A_9 = vector.load %arg2[%get3A_7, %get3A_8] : memref<1024x64xbf16, #tpu.memory_space<vmem>>, vector<256x64xbf16>
    %dot_general3A = arith.constant dense<0.000000e+00> : vector<2048x64xf32>
    %dot_general3A_10 = tpu.matmul %convert_element_type3A, %get3A_9, %dot_general3A {dimension_numbers = #tpu.dot_dimension_numbers<[1], [0], [0], [1], [0, 0, 1, 1], [], []>, transpose_lhs_hint = false} : vector<2048x256xbf16>, vector<256x64xbf16>, vector<2048x64xf32> -> vector<2048x64xf32>
    %add3A = arith.addf %broadcast_in_dim3A_2, %dot_general3A_10 : vector<2048x64xf32>
    %shift_right_arithmetic3A_11 = arith.constant 8 : i32
    %shift_right_arithmetic3A_12 = vector.broadcast %shift_right_arithmetic3A_11 : i32 to vector<2048x256xi32>
    %shift_right_arithmetic3A_13 = arith.shrsi %get3A_1, %shift_right_arithmetic3A_12 : vector<2048x256xi32>
    %and3A_14 = arith.constant 255 : i32
    %and3A_15 = vector.broadcast %and3A_14 : i32 to vector<2048x256xi32>
    %and3A_16 = arith.andi %shift_right_arithmetic3A_13, %and3A_15 : vector<2048x256xi32>
    %convert_element_type3A_17 = arith.sitofp %and3A_16 : vector<2048x256xi32> to vector<2048x256xbf16>
    %get3A_18 = arith.constant 256 : index
    %get3A_19 = arith.constant 0 : index
    %get3A_20 = vector.load %arg2[%get3A_18, %get3A_19] : memref<1024x64xbf16, #tpu.memory_space<vmem>>, vector<256x64xbf16>
    %dot_general3A_21 = arith.constant dense<0.000000e+00> : vector<2048x64xf32>
    %dot_general3A_22 = tpu.matmul %convert_element_type3A_17, %get3A_20, %dot_general3A_21 {dimension_numbers = #tpu.dot_dimension_numbers<[1], [0], [0], [1], [0, 0, 1, 1], [], []>, transpose_lhs_hint = false} : vector<2048x256xbf16>, vector<256x64xbf16>, vector<2048x64xf32> -> vector<2048x64xf32>
    %add3A_23 = arith.addf %add3A, %dot_general3A_22 : vector<2048x64xf32>
    %shift_right_arithmetic3A_24 = arith.constant 16 : i32
    %shift_right_arithmetic3A_25 = vector.broadcast %shift_right_arithmetic3A_24 : i32 to vector<2048x256xi32>
    %shift_right_arithmetic3A_26 = arith.shrsi %get3A_1, %shift_right_arithmetic3A_25 : vector<2048x256xi32>
    %and3A_27 = arith.constant 255 : i32
    %and3A_28 = vector.broadcast %and3A_27 : i32 to vector<2048x256xi32>
    %and3A_29 = arith.andi %shift_right_arithmetic3A_26, %and3A_28 : vector<2048x256xi32>
    %convert_element_type3A_30 = arith.sitofp %and3A_29 : vector<2048x256xi32> to vector<2048x256xbf16>
    %get3A_31 = arith.constant 512 : index
    %get3A_32 = arith.constant 0 : index
    %get3A_33 = vector.load %arg2[%get3A_31, %get3A_32] : memref<1024x64xbf16, #tpu.memory_space<vmem>>, vector<256x64xbf16>
    %dot_general3A_34 = arith.constant dense<0.000000e+00> : vector<2048x64xf32>
    %dot_general3A_35 = tpu.matmul %convert_element_type3A_30, %get3A_33, %dot_general3A_34 {dimension_numbers = #tpu.dot_dimension_numbers<[1], [0], [0], [1], [0, 0, 1, 1], [], []>, transpose_lhs_hint = false} : vector<2048x256xbf16>, vector<256x64xbf16>, vector<2048x64xf32> -> vector<2048x64xf32>
    %add3A_36 = arith.addf %add3A_23, %dot_general3A_35 : vector<2048x64xf32>
    %shift_right_arithmetic3A_37 = arith.constant 24 : i32
    %shift_right_arithmetic3A_38 = vector.broadcast %shift_right_arithmetic3A_37 : i32 to vector<2048x256xi32>
    %shift_right_arithmetic3A_39 = arith.shrsi %get3A_1, %shift_right_arithmetic3A_38 : vector<2048x256xi32>
    %and3A_40 = arith.constant 255 : i32
    %and3A_41 = vector.broadcast %and3A_40 : i32 to vector<2048x256xi32>
    %and3A_42 = arith.andi %shift_right_arithmetic3A_39, %and3A_41 : vector<2048x256xi32>
    %convert_element_type3A_43 = arith.sitofp %and3A_42 : vector<2048x256xi32> to vector<2048x256xbf16>
    %get3A_44 = arith.constant 768 : index
    %get3A_45 = arith.constant 0 : index
    %get3A_46 = vector.load %arg2[%get3A_44, %get3A_45] : memref<1024x64xbf16, #tpu.memory_space<vmem>>, vector<256x64xbf16>
    %dot_general3A_47 = arith.constant dense<0.000000e+00> : vector<2048x64xf32>
    %dot_general3A_48 = tpu.matmul %convert_element_type3A_43, %get3A_46, %dot_general3A_47 {dimension_numbers = #tpu.dot_dimension_numbers<[1], [0], [0], [1], [0, 0, 1, 1], [], []>, transpose_lhs_hint = false} : vector<2048x256xbf16>, vector<256x64xbf16>, vector<2048x64xf32> -> vector<2048x64xf32>
    %add3A_49 = arith.addf %add3A_36, %dot_general3A_48 : vector<2048x64xf32>
    %swap3A = arith.constant 0 : index
    %swap3A_50 = arith.constant 0 : index
    %swap3A_51 = vector.load %arg3[%swap3A, %swap3A_50] : memref<2048x64xf32, #tpu.memory_space<vmem>>, vector<2048x64xf32>
    tpu.vector_store %arg3[%swap3A, %swap3A_50], %add3A_49 {strides = array<i32>} : memref<2048x64xf32, #tpu.memory_space<vmem>>, vector<2048x64xf32>,
    return
  }
  func.func @transform_0(%arg0: i32) -> (i32, i32) {
    %c0_i32 = arith.constant 0 : i32
    %c0_i32_0 = arith.constant 0 : i32
    return %arg0, %c0_i32 : i32, i32
  }
  func.func @transform_1(%arg0: i32) -> (i32, i32) {
    %c0_i32 = arith.constant 0 : i32
    %c0_i32_0 = arith.constant 0 : i32
    %c0_i32_1 = arith.constant 0 : i32
    return %c0_i32, %c0_i32_0 : i32, i32
  }
  func.func @transform_2(%arg0: i32) -> (i32, i32) {
    %c0_i32 = arith.constant 0 : i32
    %c0_i32_0 = arith.constant 0 : i32
    return %arg0, %c0_i32 : i32, i32
  }
}

</mosaic_0001>

<sc_bundles>
// kernel: kernel.4.cloned.1.call-start
scs
__scs_entry_jumppad:
0x0: {  	(pc) =	sbr.rel $0x88, $3  }
0x1: {  	(tag) =	ssettag $0x0;
	lr =	simm.s32 $0x1  }
0x2: {  	[smem:$0x3F9F] =	sst lr;
	_ =	strace $0xD0000000  }
0x3: {  	_ = 	snop  }
0x4: {  	_ = 	snop  }
0x5: {  	_ = 	snop  }
0x6: {  	_ = 	snop  }
0x7: {  	_ = 	snop  }
__scs_overlays_trampoline_lowered:
0x8: {  	[smem:$0x3FAE] =	sst s0  }
0x9: {  	[smem:$0x3FAF] =	sst s1  }
0xa: {  	[smem:$0x3FB0] =	sst s2  }
0xb: {  	[smem:$0x3FB1] =	sst s3  }
0xc: {  	[smem:$0x3FB2] =	sst s4  }
0xd: {  	[smem:$0x3FB3] =	sst s5  }
0xe: {  	[smem:$0x3FB4] =	sst s6  }
0xf: {  	[smem:$0x3FB5] =	sst s7  }
0x10: {  	[smem:$0x3FB6] =	sst s8  }
0x11: {  	[smem:$0x3FB7] =	sst s9;
	s0 =	simm.s32 @!p0 $0x0  }
0x12: {  	s1 =	sld [smem:$0x3F9D];
	s0 =	simm.s32 @p0 $0x1  }
0x13: {  	[smem:$0x3FB8] =	sst s0;
	s0 =	simm.s32 @!p1 $0x0  }
0x14: {  	s2 =	sld [smem:$0x3F9C];
	s0 =	simm.s32 @p1 $0x1  }
0x15: {  	[smem:$0x3FB9] =	sst s0;
	s0 =	simm.s32 @!p2 $0x0  }
0x16: {  	s3 =	sld [smem:$0x3FDB];
	s0 =	simm.s32 @p2 $0x1  }
0x17: {  	s4 =	simm.s32 $0x1BF5;
	[smem:$0x3FBB] =	sst s0  }
0x18: {  	s0 =	sld [smem:$0x3F9E];
	_ =	swait.ge [sflag:s4], $0x0  }
0x19: {  	s7 =	sld [smem:$0x3F9F]  }
0x1a: {  	s8 =	sadd.s32 $0xFFFFE003, lr  }
0x1b: {  	s9 =	sadd.s32 $0xFFFFFEF7, lr;
	s5 =	simm.s32 $0xFFFFFFFF;
	p2 =	slt.u32 s8, $0xFFFFF086  }
0x1c: {  	p1 =	slt.u32 s9, $0xF7A;
	s5 =	simm.s32 @!p2 $0x0  }
0x1d: {  	s5 =	simm.s32 @p1 $0x1;
	p0 =	seq.s32 s7, s2  }
0x1e: {  	s7 =	smul.u32 @!p0 $0xF7A, s2;
	p2 =	seq.s32 @!p0 s5, $0x0  }
0x1f: {  	s9 =	smul.u32 $0xF7A, s1;
	s8 =	simm.s32 @!p0 $0x1BF5;
	p2 =	por !p2, p0  }
0x20: {  	[sflag:s8] =	ssyncset.s32 @!p0 $0xFFFFF086;
	s6 =	sadd.s32 @!p0 s3, s7;
	s7 =	simm.s32 @!p0 $0x108  }
0x21: {  	s3 =	sadd.s32 s3, s9;
	s6 =	sadd.s32 @!p0 $0x88, s6;
	s7 =	simm.s32 @p2 $0x1082  }
0x22: {  	[simem:s7], [sflag:s8] =	dma.local @!p0 [hbm:s6], $0xF7A  }
0x23: {  	s9 =	sor.u32 $0xD0000000, s2;
	s6 =	simm.s32 $0x108;
	_ =	swait.ge @!p0 [sflag:s8], $0x0  }
0x24: {  	s3 =	sadd.s32 $0x88, s3;
	s6 =	simm.s32 @!p1 $0x1082;
	[sflag:s4] =	ssyncset.s32 $0xFFFFF086  }
0x25: {  	[simem:s6], [sflag:s4] =	dma.local [hbm:s3], $0xF7A  }
0x26: {  	[smem:$0x3F9F] =	sst s1;
	(tag) =	ssettag s2;
	_ =	strace s9  }
0x27: {  	s1 =	sld [smem:$0x3FAF]  }
0x28: {  	s2 =	sld [smem:$0x3FB0]  }
0x29: {  	s4 =	sld [smem:$0x3FB2]  }
0x2a: {  	p0 =	seq.s32 s5, $0x0;
	s5 =	sld [smem:$0x3FB3]  }
0x2b: {  	s6 =	sld [smem:$0x3FB4]  }
0x2c: {  	s7 =	sld [smem:$0x3FB5]  }
0x2d: {  	s3 =	simm.s32 $0x108;
	s8 =	sld [smem:$0x3FB6]  }
0x2e: {  	s3 =	simm.s32 @!p0 $0x1082;
	s9 =	sld [smem:$0x3FB7]  }
0x2f: {  	lr =	sadd.s32 s0, s3;
	s0 =	sld [smem:$0x3FAE]  }
0x30: {  	s3 =	sld [smem:$0x3FB1]  }
0x31: {  	[smem:$0x3FBA] =	sst s10  }
0x32: {  	s10 =	sld [smem:$0x3FB8];
	_ =	sdelay $0x3  }
0x33: {  	p0 =	seq.s32 s10, $0x1;
	s10 =	sld [smem:$0x3FBA];
	_ =	sdelay $0x3  }
0x34: {  	[smem:$0x3FBA] =	sst s10  }
0x35: {  	s10 =	sld [smem:$0x3FB9];
	_ =	sdelay $0x3  }
0x36: {  	p1 =	seq.s32 s10, $0x1;
	s10 =	sld [smem:$0x3FBA];
	_ =	sdelay $0x3  }
0x37: {  	[smem:$0x3FBA] =	sst s10  }
0x38: {  	s10 =	sld [smem:$0x3FBB]  }
0x39: {  	_ = 	snop;
	(pc) =	sbr.ind lr, $3  }
0x3a: {  	_ = 	snop  }
0x3b: {  	_ = 	snop  }
0x3c: {  	p2 =	seq.s32 s10, $0x1;
	s10 =	sld [smem:$0x3FBA]  }
0x3d: {  	_ =	shalt  }
0x3e: {  	_ =	shalt  }
0x3f: {  	_ =	shalt  }
0x40: {  	_ =	shalt  }
0x41: {  	_ =	shalt  }
0x42: {  	_ =	shalt  }
0x43: {  	_ =	shalt  }
0x44: {  	_ =	shalt  }
0x45: {  	_ =	shalt  }
0x46: {  	_ =	shalt  }
0x47: {  	_ =	shalt  }
0x48: {  	_ =	shalt  }
0x49: {  	_ =	shalt  }
0x4a: {  	_ =	shalt  }
0x4b: {  	_ =	shalt  }
0x4c: {  	_ =	shalt  }
0x4d: {  	_ =	shalt  }
0x4e: {  	_ =	shalt  }
0x4f: {  	_ =	shalt  }
0x50: {  	_ =	shalt  }
0x51: {  	_ =	shalt  }
0x52: {  	_ =	shalt  }
0x53: {  	_ =	shalt  }
0x54: {  	_ =	shalt  }
0x55: {  	_ =	shalt  }
0x56: {  	_ =	shalt  }
0x57: {  	_ =	shalt  }
0x58: {  	_ =	shalt  }
0x59: {  	_ =	shalt  }
0x5a: {  	_ =	shalt  }
0x5b: {  	_ =	shalt  }
0x5c: {  	_ =	shalt  }
0x5d: {  	_ =	shalt  }
0x5e: {  	_ =	shalt  }
0x5f: {  	_ =	shalt  }
0x60: {  	_ =	shalt  }
0x61: {  	_ =	shalt  }
0x62: {  	_ =	shalt  }
0x63: {  	_ =	shalt  }
0x64: {  	_ =	shalt  }
0x65: {  	_ =	shalt  }
0x66: {  	_ =	shalt  }
0x67: {  	_ =	shalt  }
0x68: {  	_ =	shalt  }
0x69: {  	_ =	shalt  }
0x6a: {  	_ =	shalt  }
0x6b: {  	_ =	shalt  }
0x6c: {  	_ =	shalt  }
0x6d: {  	_ =	shalt  }
0x6e: {  	_ =	shalt  }
0x6f: {  	_ =	shalt  }
0x70: {  	_ =	shalt  }
0x71: {  	_ =	shalt  }
0x72: {  	_ =	shalt  }
0x73: {  	_ =	shalt  }
0x74: {  	_ =	shalt  }
0x75: {  	_ =	shalt  }
0x76: {  	_ =	shalt  }
0x77: {  	_ =	shalt  }
0x78: {  	_ =	shalt  }
0x79: {  	_ =	shalt  }
0x7a: {  	_ =	shalt  }
0x7b: {  	_ =	shalt  }
0x7c: {  	_ =	shalt  }
0x7d: {  	_ =	shalt  }
0x7e: {  	_ =	shalt  }
0x7f: {  	_ =	shalt  }
0x80: {  	_ =	shalt  }
0x81: {  	_ =	shalt  }
0x82: {  	_ =	shalt  }
0x83: {  	_ =	shalt  }
0x84: {  	_ =	shalt  }
0x85: {  	_ =	shalt  }
0x86: {  	_ =	shalt  }
0x87: {  	_ =	shalt  }
.Lfunc_end0:
.L_simem_size_0:
called_computation_lowered:
.L_overlay_start_0:
0x88: {  	s2 =	sld [smem:$0x3FD9]  }
0x89: {  	s3 =	sld [smem:$0x3FFE];
	_ =	sdelay $0x1  }
0x8a: {  	s1 =	srdreg.scid  }
0x8b: {  	s0 =	sand.u32 $0x1, s1  }
0x8c: {  	s16 =	sshll.u32 s0, $0xA;
	s2 =	sadd.s32 s3, s2  }
0x8d: {  	s2 =	sadd.s32 s2, s16  }
0x8e: {  	[smem:$0x3FC6] =	sst s2  }
0x8f: {  	_ = 	snop  }
0x90: {  	(tm) =	ssettm $0x1  }
0x91: {  	s17 =	sld [smem:$0x3FFB];
	_ =	sdelay $0x3  }
0x92: {  	_ =	strace s17  }
0x93: {  	s2 =	sld [smem:$0x3FFC];
	_ =	sdelay $0x3  }
0x94: {  	_ =	strace s2  }
0x95: {  	s2 =	sld [smem:$0x3FFD];
	_ =	sdelay $0x3  }
0x96: {  	_ =	strace s2  }
0x97: {  	_ =	strace $0x8FFFFFFF  }
0x98: {  	s18 =	sld [smem:$0x3FDB];
	_ =	sdelay $0x1  }
0x99: {  	s19 =	simm.s32 $_scs_section_size  }
0x9a: {  	s4 =	simm.s32 $_size__tile_overlayer_lowered;
	s5 =	simm.s32 $_tile_overlayer_lowered  }
0x9b: {  	s22 =	simm.s32 $0x1BFF;
	s21 =	sshll.u32 s5, $0x1;
	s2 =	sadd.s32 s19, s18  }
0x9c: {  	s6 =	simm.s32 $0x0;
	s20 =	sshll.u32 s4, $0x1;
	s4 =	sadd.s32 s21, s2  }
0x9d: {  	[timem:s6], [sflag:s22] =	dma.local [hbm:s4], s20  }
0x9e: {  	_ =	swait.ge [sflag:s22], s20  }
0x9f: {  	s3 =	ssub.s32 $0x0, s20;
	[sflag:s22] =	ssyncset.done $0x0  }
0xa0: {  	[sflag:s22] =	ssyncadd.s32 s3;
	_ =	sdelay $0x1  }
0xa1: {  	s23 =	simm.s32 $0x1B8B  }
0xa2: {  	_ =	swait.ge [sflag:s23], $0x1  }
0xa3: {  	[sflag:s23] =	ssyncset.done $0x0  }
0xa4: {  	s25 =	simm.s32 $0x1B8E;
	s24 =	sld [smem:$0x3FFE];
	[sflag:s23] =	ssyncadd.s32 $0xFFFFFFFF  }
0xa5: {  	s26 =	simm.s32 $execute0_lowered;
	[smem:$0x3FD2] =	sst s25  }
0xa6: {  	s4 =	sshll.u32 s26, $0x1;
	_ =	strace $0x80000046;
	[dreg:$0x1] =	wrdreg $0xFFFFFFFF  }
0xa7: {  	s28 =	simm.s32 $_size_execute0_lowered;
	s2 =	sadd.s32 s2, s4;
	[dreg:$0x0] =	wrdreg $0x0  }
0xa8: {  	s4 =	sshll.u32 s28, $0x1;
	[dreg:$0x2] =	wrdreg s2  }
0xa9: {  	[dreg:$0x3] =	wrdreg s4  }
0xaa: {  	[dreg:$0x4] =	wrdreg $0xC0  }
0xab: {  	_ =	task [dreg:s6], $0x5FFFF  }
0xac: {  	[dreg:$0x1] =	wrdreg $0xFFFFFFFF  }
0xad: {  	[dreg:$0x0] =	wrdreg $0x60  }
0xae: {  	[dreg:$0x2] =	wrdreg s24  }
0xaf: {  	[dreg:$0x3] =	wrdreg $0x80000  }
0xb0: {  	[dreg:$0x4] =	wrdreg $0x9  }
0xb1: {  	_ =	task.clear_ibuf [dreg:s6], $0x5FFFF;
	_ =	strace $0x90000046  }
0xb2: {  	s29 =	simm.s32 $0x9;
	_ =	strace $0x80000048  }
0xb3: {  	_ =	swait.ge [sflag:s29], $0x1  }
0xb4: {  	[sflag:s29] =	ssyncadd.s32 $0xFFFFFFFF  }
0xb5: {  	_ =	strace $0x90000048  }
0xb6: {  	_ =	sfence  }
0xb7: {  	s30 =	sld [smem:$0x0];
	_ =	sdelay $0x2  }
0xb8: {  	s31 =	sshll.u32 s1, $0xD;
	s1 =	sshrl.u32 s1, $0x2  }
0xb9: {  	s3 =	sand.u32 $0x4000, s31;
	s1 =	sadd.s32 s1, s30  }
0xba: {  	s0 =	sor.u32 s3, s0;
	s1 =	sshll.u32 s1, $0x11  }
0xbb: {  	s0 =	sor.u32 s1, s0  }
0xbc: {  	s0 =	sadd.s32 $0x8F2B, s0  }
0xbd: {  	[sflag:s0] =	ssyncadd.remote.s32 $0x1  }
0xbe: {  	_ =	sfence.sel $0xFFFF  }
0xbf: {  	[dreg:$0x0] =	wrdreg $0xFFFFFFFF;
	(pc) =	sbr.abs _section_cstart, $3  }
0xc0: {  	[dreg:$0x1] =	wrdreg $0xFFFFFFFF  }
0xc1: {  	_ =	task.clear_ibuf [dreg:s6], $0x2FFFF;
	_ =	strace $0x9FFFFFFF  }
0xc2: {  	(tm) =	ssettm $0x7FFFFFFF  }
0xc3: {  	_ =	shalt  }
tec
execute0_lowered:
.L_overlay_start_1:
0x0: {  	(tag) =	ssettag $0x1  }
0x1: {  	s3 =	rddreg [dreg:$0x0]  }
0x2: {  	s1 =	rddreg [dreg:$0x1]  }
0x3: {  	s0 =	rddreg [dreg:$0x2]  }
0x4: {  	s2 =	simm.s32 $0x0;
	s4 =	srdreg.scid;
	s10 =	stileid.u32  }
0x5: {  	s12 =	simm.s32 $0x5;
	s13 =	simm.s32 $0x4000;
	s14 =	simm.s32 $0x4  }
0x6: {  	s15 =	simm.s32 $0x6;
	s16 =	simm.s32 $0x1;
	s17 =	simm.s32 $0x2  }
0x7: {  	s18 =	simm.s32 $0x3;
	s19 =	simm.s32 $0x0;
	[smem:$0x7FF] =	sst s2  }
0x8: {  	s4 =	sand.u32 $0x1, s4;
	s6 =	sshll.u32 s10, $0xF;
	s7 =	sadd.s32 $0x600, s3  }
0x9: {  	s9 =	sadd.s32 $0x80600, s3;
	p0 =	sne.s32 s10, $0x0;
	s5 =	ssub.s32 $0x2, s4  }
0xa: {  	s10 =	simm.s32 $0x6000;
	s4 =	sshll.u32 s4, $0xE;
	s8 =	sshrl.u32 s5, $0x1  }
0xb: {  	_ =	strace $0x80000047;
	s6 =	sor.u32 s4, s6;
	s11 =	ssub.s32 s5, s8  }
0xc: {  	s31 =	sor.u32 $0x400, s6;
	s3 =	sadd.s32 s7, s6;
	s5 =	sadd.s32 s9, s6  }
0xd: {  	s4 =	sadd.s32 s7, s31;
	s6 =	sadd.s32 $0x800, s3;
	s7 =	sadd.s32 s9, s31  }
0xe: {  	v0 =	vimm.s32 $0x0;
	v1 =	vimm.s32 $0x1;
	vm0 =	vcmask $0x3F20;
	s8 =	sadd.s32 $0xC00, s3;
	s9 =	smax.u32 s11, $0x1;
	s11 =	simm.s32 $0x2000  }
.LBB2_1:
0xf: {  	s20 =	sand.u32 $0x1800, s2;
	s21 =	sand.u32 $0x380, s2  }
0x10: {  	s20 =	sor.u32 s21, s20  }
0x11: {  	[tilespmem:s20+$0x4470] =	vst v0  }
0x12: {  	[tilespmem:s20+$0x4000] =	vst v0  }
0x13: {  	[tilespmem:s20+$0x4010] =	vst v0  }
0x14: {  	[tilespmem:s20+$0x4020] =	vst v0  }
0x15: {  	[tilespmem:s20+$0x4030] =	vst v0  }
0x16: {  	[tilespmem:s20+$0x4040] =	vst v0  }
0x17: {  	[tilespmem:s20+$0x4050] =	vst v0  }
0x18: {  	[tilespmem:s20+$0x4060] =	vst v0  }
0x19: {  	[tilespmem:s20+$0x4070] =	vst v0  }
0x1a: {  	[tilespmem:s20+$0x4400] =	vst v0  }
0x1b: {  	[tilespmem:s20+$0x4410] =	vst v0  }
0x1c: {  	[tilespmem:s20+$0x4420] =	vst v0  }
0x1d: {  	[tilespmem:s20+$0x4430] =	vst v0  }
0x1e: {  	s22 =	simm.s32 $0x100;
	s21 =	simm.s32 $0x80;
	[tilespmem:s20+$0x4440] =	vst v0  }
0x1f: {  	s23 =	sand.u32 $0x1800, s22;
	s22 =	simm.s32 $0x200;
	s24 =	sand.u32 $0x380, s21;
	[tilespmem:s20+$0x4450] =	vst v0  }
.LBB2_2:
0x20: {  	p1 =	sne.s32 s22, $0x1F00;
	[tilespmem:s20+$0x4460] =	vst v0;
	s20 =	sor.u32 s24, s23  }
0x21: {  	[tilespmem:s20+$0x4470] =	vst v0  }
0x22: {  	[tilespmem:s20+$0x4000] =	vst v0  }
0x23: {  	[tilespmem:s20+$0x4010] =	vst v0  }
0x24: {  	[tilespmem:s20+$0x4020] =	vst v0  }
0x25: {  	[tilespmem:s20+$0x4030] =	vst v0  }
0x26: {  	[tilespmem:s20+$0x4040] =	vst v0  }
0x27: {  	[tilespmem:s20+$0x4050] =	vst v0  }
0x28: {  	[tilespmem:s20+$0x4060] =	vst v0  }
0x29: {  	[tilespmem:s20+$0x4070] =	vst v0  }
0x2a: {  	[tilespmem:s20+$0x4400] =	vst v0  }
.Ltmp0:
0x2b: {  	[tilespmem:s20+$0x4410] =	vst v0;
	(pc) =	sbr.rel @p1 .LBB2_2-.Ltmp0, $4  }
0x2c: {  	[tilespmem:s20+$0x4420] =	vst v0  }
0x2d: {  	[tilespmem:s20+$0x4430] =	vst v0  }
0x2e: {  	s21 =	sadd.s32 $0x80, s21;
	[tilespmem:s20+$0x4440] =	vst v0  }
0x2f: {  	s23 =	sand.u32 $0x1800, s22;
	s22 =	sadd.s32 $0x100, s22;
	s24 =	sand.u32 $0x380, s21;
	[tilespmem:s20+$0x4450] =	vst v0  }
0x30: {  	s21 =	sor.u32 s24, s23;
	[tilespmem:s20+$0x4460] =	vst v0  }
0x31: {  	[tilespmem:s21+$0x4470] =	vst v0  }
0x32: {  	[tilespmem:s21+$0x4000] =	vst v0  }
0x33: {  	[tilespmem:s21+$0x4010] =	vst v0  }
0x34: {  	[tilespmem:s21+$0x4020] =	vst v0  }
0x35: {  	[tilespmem:s21+$0x4030] =	vst v0  }
0x36: {  	[tilespmem:s21+$0x4040] =	vst v0  }
0x37: {  	[tilespmem:s21+$0x4050] =	vst v0  }
0x38: {  	[tilespmem:s21+$0x4060] =	vst v0  }
0x39: {  	[tilespmem:s21+$0x4070] =	vst v0  }
0x3a: {  	[tilespmem:s21+$0x4400] =	vst v0  }
0x3b: {  	[tilespmem:s21+$0x4410] =	vst v0  }
0x3c: {  	[tilespmem:s21+$0x4420] =	vst v0  }
0x3d: {  	[tilespmem:s21+$0x4430] =	vst v0  }
0x3e: {  	[tilespmem:s21+$0x4440] =	vst v0  }
0x3f: {  	[tilespmem:s21+$0x4450] =	vst v0  }
0x40: {  	s20 =	simm.s32 @!p0 $0x4000;
	[tilespmem:s21+$0x4460] =	vst v0  }
0x41: {  	[spmem:s1] =	stream.linear.scatter @!p0 [tilespmem:s20], [sflag:$0x7], $0x2000, $0x38;
	[tilespmem:$0x8200] =	vst v63  }
0x42: {  	s20 =	simm.s32 @!p0 $0x7  }
0x43: {  	_ =	swait.ge @!p0 [sflag:s20], $0x2000  }
0x44: {  	[sflag:s20] =	ssyncset.done @!p0 $0x0  }
0x45: {  	[sflag:s20] =	ssyncadd.s32 @!p0 $0xFFFFE000  }
0x46: {  	[bflag:$0x0] =	sbarrier.arrive $0xFFFF  }
0x47: {  	[tilespmem:s10], [sflag:$0x4] =	stream.linear.gather [spmem:s1], $0x2000, $0x38;
	[tilespmem:$0x8200] =	vst v63  }
0x48: {  	s20 =	simm.s32 $0x0  }
0x49: {  	[tilespmem:s20], [sflag:$0x5] =	stream.linear.gather [hbm4b:s3+s20], $0x2000, $0x38;
	[tilespmem:$0x8200] =	vst v63  }
0x4a: {  	_ = 	snop  }
0x4b: {  	[tilespmem:s11], [sflag:$0x6] =	stream.linear.gather [hbm4b:s4+s20], $0x2000, $0x38;
	[tilespmem:$0x8200] =	vst v63  }
0x4c: {  	_ =	swait.ge [sflag:s12], $0x2000  }
0x4d: {  	[sflag:s12] =	ssyncset.done $0x0  }
0x4e: {  	s22 =	simm.s32 $0x0;
	s21 =	simm.s32 $0x0;
	[sflag:s12] =	ssyncadd.s32 $0xFFFFE000  }
.LBB2_4:
0x4f: {  	s23 =	sand.u32 $0x1800, s20;
	s24 =	sand.u32 $0x380, s21  }
0x50: {  	s23 =	sor.u32 s24, s23  }
0x51: {  	v4 =	vld [tilespmem:s23+$0x0];
	_ =	sdelay $0x3  }
0x52: {  	v3 =	vmov s22  }
0x53: {  	v2 =	vshll.u32 v3, $0x8;
	v5 =	vshll.u32 v4, $0x1  }
0x54: {  	v2 =	vand.u32 $0x1800, v2;
	v6 =	vshrl.u32 v4, $0x2;
	v5 =	vand.u32 $0xFFFFFC00, v5  }
0x55: {  	v3 =	vshll.u32 v3, $0x7;
	v6 =	vand.u32 $0x7F, v6;
	v5 =	vadd.s32 v2, v5  }
0x56: {  	v3 =	vand.u32 $0x380, v3;
	v5 =	vor.u32 v6, v5  }
0x57: {  	v5 =	vor.u32 v3, v5;
	_ =	sdelay $0x1  }
0x58: {  	v4 =	vshll.u32 v4, $0x3  }
0x59: {  	v4 =	vand.u32 $0x18, v4  }
0x5a: {  	v4 =	vshll.u32 v1, v4  }
0x5b: {  	[tilespmem:v5+s13+$0x0] =	vst.idx.add.s32.msk $0xffff, v4  }
0x5c: {  	v4 =	vld [tilespmem:s23+$0x10];
	_ =	sdelay $0x4  }
0x5d: {  	v40 =	vshll.u32 v4, $0x1  }
0x5e: {  	v41 =	vshrl.u32 v4, $0x2;
	v5 =	vand.u32 $0xFFFFFC00, v40  }
0x5f: {  	v6 =	vand.u32 $0x7F, v41;
	v5 =	vadd.s32 v2, v5  }
0x60: {  	v5 =	vor.u32 v6, v5  }
0x61: {  	v5 =	vor.u32 v3, v5;
	_ =	sdelay $0x1  }
0x62: {  	v4 =	vshll.u32 v4, $0x3  }
0x63: {  	v4 =	vand.u32 $0x18, v4  }
0x64: {  	v4 =	vshll.u32 v1, v4  }
0x65: {  	[tilespmem:v5+s13+$0x0] =	vst.idx.add.s32.msk $0xffff, v4  }
0x66: {  	v4 =	vld [tilespmem:s23+$0x20];
	_ =	sdelay $0x4  }
0x67: {  	v42 =	vshll.u32 v4, $0x1  }
0x68: {  	v43 =	vshrl.u32 v4, $0x2;
	v5 =	vand.u32 $0xFFFFFC00, v42  }
0x69: {  	v6 =	vand.u32 $0x7F, v43;
	v5 =	vadd.s32 v2, v5  }
0x6a: {  	v5 =	vor.u32 v6, v5  }
0x6b: {  	v5 =	vor.u32 v3, v5;
	_ =	sdelay $0x1  }
0x6c: {  	v4 =	vshll.u32 v4, $0x3  }
0x6d: {  	v4 =	vand.u32 $0x18, v4  }
0x6e: {  	v4 =	vshll.u32 v1, v4  }
0x6f: {  	[tilespmem:v5+s13+$0x0] =	vst.idx.add.s32.msk $0xffff, v4  }
0x70: {  	v4 =	vld [tilespmem:s23+$0x30];
	_ =	sdelay $0x4  }
0x71: {  	v44 =	vshll.u32 v4, $0x1  }
0x72: {  	v45 =	vshrl.u32 v4, $0x2;
	v5 =	vand.u32 $0xFFFFFC00, v44  }
0x73: {  	v6 =	vand.u32 $0x7F, v45;
	v5 =	vadd.s32 v2, v5  }
0x74: {  	v5 =	vor.u32 v6, v5  }
0x75: {  	v5 =	vor.u32 v3, v5;
	_ =	sdelay $0x1  }
0x76: {  	v4 =	vshll.u32 v4, $0x3  }
0x77: {  	v4 =	vand.u32 $0x18, v4  }
0x78: {  	v4 =	vshll.u32 v1, v4  }
0x79: {  	[tilespmem:v5+s13+$0x0] =	vst.idx.add.s32.msk $0xffff, v4  }
0x7a: {  	v4 =	vld [tilespmem:s23+$0x40];
	_ =	sdelay $0x4  }
0x7b: {  	v46 =	vshll.u32 v4, $0x1  }
0x7c: {  	v47 =	vshrl.u32 v4, $0x2;
	v5 =	vand.u32 $0xFFFFFC00, v46  }
0x7d: {  	v6 =	vand.u32 $0x7F, v47;
	v5 =	vadd.s32 v2, v5  }
0x7e: {  	v5 =	vor.u32 v6, v5  }
0x7f: {  	v5 =	vor.u32 v3, v5;
	_ =	sdelay $0x1  }
0x80: {  	v4 =	vshll.u32 v4, $0x3  }
0x81: {  	v4 =	vand.u32 $0x18, v4  }
0x82: {  	v4 =	vshll.u32 v1, v4  }
0x83: {  	[tilespmem:v5+s13+$0x0] =	vst.idx.add.s32.msk $0xffff, v4  }
0x84: {  	v4 =	vld [tilespmem:s23+$0x50];
	_ =	sdelay $0x4  }
0x85: {  	v48 =	vshll.u32 v4, $0x1  }
0x86: {  	v49 =	vshrl.u32 v4, $0x2;
	v5 =	vand.u32 $0xFFFFFC00, v48  }
0x87: {  	v6 =	vand.u32 $0x7F, v49;
	v5 =	vadd.s32 v2, v5  }
0x88: {  	v5 =	vor.u32 v6, v5  }
0x89: {  	v5 =	vor.u32 v3, v5;
	_ =	sdelay $0x1  }
0x8a: {  	v4 =	vshll.u32 v4, $0x3  }
0x8b: {  	v4 =	vand.u32 $0x18, v4  }
0x8c: {  	v4 =	vshll.u32 v1, v4  }
0x8d: {  	[tilespmem:v5+s13+$0x0] =	vst.idx.add.s32.msk $0xffff, v4  }
0x8e: {  	v4 =	vld [tilespmem:s23+$0x60];
	_ =	sdelay $0x4  }
0x8f: {  	v50 =	vshll.u32 v4, $0x1  }
0x90: {  	v51 =	vshrl.u32 v4, $0x2;
	v5 =	vand.u32 $0xFFFFFC00, v50  }
0x91: {  	v6 =	vand.u32 $0x7F, v51;
	v5 =	vadd.s32 v2, v5  }
0x92: {  	v5 =	vor.u32 v6, v5  }
0x93: {  	v5 =	vor.u32 v3, v5;
	_ =	sdelay $0x1  }
0x94: {  	v4 =	vshll.u32 v4, $0x3  }
0x95: {  	v4 =	vand.u32 $0x18, v4  }
0x96: {  	v4 =	vshll.u32 v1, v4  }
0x97: {  	[tilespmem:v5+s13+$0x0] =	vst.idx.add.s32.msk $0xffff, v4  }
0x98: {  	v4 =	vld [tilespmem:s23+$0x70];
	_ =	sdelay $0x4  }
0x99: {  	v52 =	vshll.u32 v4, $0x1  }
0x9a: {  	v53 =	vshrl.u32 v4, $0x2;
	v5 =	vand.u32 $0xFFFFFC00, v52  }
0x9b: {  	v6 =	vand.u32 $0x7F, v53;
	v5 =	vadd.s32 v2, v5  }
0x9c: {  	v5 =	vor.u32 v6, v5  }
0x9d: {  	v5 =	vor.u32 v3, v5;
	_ =	sdelay $0x1  }
0x9e: {  	v4 =	vshll.u32 v4, $0x3  }
0x9f: {  	v4 =	vand.u32 $0x18, v4  }
0xa0: {  	v4 =	vshll.u32 v1, v4  }
0xa1: {  	[tilespmem:v5+s13+$0x0] =	vst.idx.add.s32.msk $0xffff, v4  }
0xa2: {  	v4 =	vld [tilespmem:s23+$0x400];
	_ =	sdelay $0x4  }
0xa3: {  	v54 =	vshll.u32 v4, $0x1  }
0xa4: {  	v55 =	vshrl.u32 v4, $0x2;
	v5 =	vand.u32 $0xFFFFFC00, v54  }
0xa5: {  	v6 =	vand.u32 $0x7F, v55;
	v5 =	vadd.s32 v2, v5  }
0xa6: {  	v5 =	vor.u32 v6, v5  }
0xa7: {  	v5 =	vor.u32 v3, v5;
	_ =	sdelay $0x1  }
0xa8: {  	v4 =	vshll.u32 v4, $0x3  }
0xa9: {  	v4 =	vand.u32 $0x18, v4  }
0xaa: {  	v4 =	vshll.u32 v1, v4  }
0xab: {  	[tilespmem:v5+s13+$0x0] =	vst.idx.add.s32.msk $0xffff, v4  }
0xac: {  	v4 =	vld [tilespmem:s23+$0x410];
	_ =	sdelay $0x4  }
0xad: {  	v56 =	vshll.u32 v4, $0x1  }
0xae: {  	v57 =	vshrl.u32 v4, $0x2;
	v5 =	vand.u32 $0xFFFFFC00, v56  }
0xaf: {  	v6 =	vand.u32 $0x7F, v57;
	v5 =	vadd.s32 v2, v5  }
0xb0: {  	v5 =	vor.u32 v6, v5  }
0xb1: {  	v5 =	vor.u32 v3, v5;
	_ =	sdelay $0x1  }
0xb2: {  	v4 =	vshll.u32 v4, $0x3  }
0xb3: {  	v4 =	vand.u32 $0x18, v4  }
0xb4: {  	v4 =	vshll.u32 v1, v4  }
0xb5: {  	[tilespmem:v5+s13+$0x0] =	vst.idx.add.s32.msk $0xffff, v4  }
0xb6: {  	v4 =	vld [tilespmem:s23+$0x420];
	_ =	sdelay $0x4  }
0xb7: {  	v58 =	vshll.u32 v4, $0x1  }
0xb8: {  	v59 =	vshrl.u32 v4, $0x2;
	v5 =	vand.u32 $0xFFFFFC00, v58  }
0xb9: {  	v6 =	vand.u32 $0x7F, v59;
	v5 =	vadd.s32 v2, v5  }
0xba: {  	v5 =	vor.u32 v6, v5  }
0xbb: {  	v5 =	vor.u32 v3, v5;
	_ =	sdelay $0x1  }
0xbc: {  	v4 =	vshll.u32 v4, $0x3  }
0xbd: {  	v4 =	vand.u32 $0x18, v4  }
0xbe: {  	v4 =	vshll.u32 v1, v4  }
0xbf: {  	[tilespmem:v5+s13+$0x0] =	vst.idx.add.s32.msk $0xffff, v4  }
0xc0: {  	v4 =	vld [tilespmem:s23+$0x430];
	_ =	sdelay $0x4  }
0xc1: {  	v60 =	vshll.u32 v4, $0x1  }
0xc2: {  	v61 =	vshrl.u32 v4, $0x2;
	v5 =	vand.u32 $0xFFFFFC00, v60  }
0xc3: {  	v6 =	vand.u32 $0x7F, v61;
	v5 =	vadd.s32 v2, v5  }
0xc4: {  	v5 =	vor.u32 v6, v5  }
0xc5: {  	v5 =	vor.u32 v3, v5;
	_ =	sdelay $0x1  }
0xc6: {  	v4 =	vshll.u32 v4, $0x3  }
0xc7: {  	v4 =	vand.u32 $0x18, v4  }
0xc8: {  	v4 =	vshll.u32 v1, v4  }
0xc9: {  	[tilespmem:v5+s13+$0x0] =	vst.idx.add.s32.msk $0xffff, v4  }
0xca: {  	v4 =	vld [tilespmem:s23+$0x438];
	_ =	sdelay $0x4  }
0xcb: {  	v62 =	vshll.u32 v4, $0x1  }
0xcc: {  	v63 =	vshrl.u32 v4, $0x2;
	v5 =	vand.u32 $0xFFFFFC00, v62  }
0xcd: {  	v6 =	vand.u32 $0x7F, v63;
	v2 =	vadd.s32 v2, v5  }
0xce: {  	v2 =	vor.u32 v6, v2  }
0xcf: {  	p1 =	sne.s32 s22, $0x1F;
	v2 =	vor.u32 v3, v2  }
.Ltmp1:
0xd0: {  	_ = 	snop;
	(pc) =	sbr.rel @p1 .LBB2_4-.Ltmp1, $4  }
0xd1: {  	v3 =	vshll.u32 v4, $0x3  }
0xd2: {  	v3 =	vand.u32 $0x18, v3  }
0xd3: {  	v3 =	vshll.u32 v1, v3  }
0xd4: {  	s21 =	sadd.s32 $0x80, s21;
	s20 =	sadd.s32 $0x100, s20;
	s22 =	sadd.s32 $0x1, s22;
	[tilespmem:v2+s13+$0x0] =	vst.idx.add.s32.msk vm0, v3  }
0xd5: {  	s20 =	simm.s32 $0x0  }
0xd6: {  	[hbm4b:s5+s20] =	stream.linear.scatter [tilespmem:s13], [sflag:$0x1], $0x2000, $0x38;
	[tilespmem:$0x8200] =	vst v63  }
0xd7: {  	_ = 	snop  }
0xd8: {  	[tilespmem:s20], [sflag:$0x5] =	stream.linear.gather [hbm4b:s6+s20], $0x2000, $0x38;
	[tilespmem:$0x8200] =	vst v63  }
0xd9: {  	_ =	swait.ge [sflag:s14], $0x2000  }
0xda: {  	[sflag:s14] =	ssyncset.done $0x0  }
0xdb: {  	[sflag:s14] =	ssyncadd.s32 $0xFFFFE000  }
0xdc: {  	_ =	swait.ge [sflag:s15], $0x2000  }
0xdd: {  	[sflag:s15] =	ssyncset.done $0x0  }
0xde: {  	s21 =	simm.s32 $0x0;
	s22 =	simm.s32 $0x0;
	[sflag:s15] =	ssyncadd.s32 $0xFFFFE000  }
.LBB2_6:
0xdf: {  	s23 =	sand.u32 $0x1800, s20;
	s24 =	sand.u32 $0x380, s21  }
0xe0: {  	s23 =	sor.u32 s24, s23  }
0xe1: {  	v4 =	vld [tilespmem:s23+$0x2000];
	_ =	sdelay $0x2  }
0xe2: {  	v3 =	vmov s22  }
0xe3: {  	v2 =	vshll.u32 v3, $0x8  }
0xe4: {  	v2 =	vand.u32 $0x1800, v2;
	v5 =	vshll.u32 v4, $0x1  }
0xe5: {  	v2 =	vor.u32 $0x2000, v2;
	v6 =	vshrl.u32 v4, $0x2;
	v5 =	vand.u32 $0xFFFFFC00, v5  }
0xe6: {  	v3 =	vshll.u32 v3, $0x7;
	v6 =	vand.u32 $0x7F, v6;
	v5 =	vadd.s32 v2, v5  }
0xe7: {  	v3 =	vand.u32 $0x380, v3;
	v5 =	vor.u32 v6, v5  }
0xe8: {  	v5 =	vor.u32 v3, v5;
	_ =	sdelay $0x1  }
0xe9: {  	v4 =	vshll.u32 v4, $0x3  }
0xea: {  	v4 =	vand.u32 $0x18, v4  }
0xeb: {  	v4 =	vshll.u32 v1, v4  }
0xec: {  	[tilespmem:v5+s13+$0x0] =	vst.idx.add.s32.msk $0xffff, v4  }
0xed: {  	v4 =	vld [tilespmem:s23+$0x2010];
	_ =	sdelay $0x4  }
0xee: {  	v40 =	vshll.u32 v4, $0x1  }
0xef: {  	v41 =	vshrl.u32 v4, $0x2;
	v5 =	vand.u32 $0xFFFFFC00, v40  }
0xf0: {  	v6 =	vand.u32 $0x7F, v41;
	v5 =	vadd.s32 v2, v5  }
0xf1: {  	v5 =	vor.u32 v6, v5  }
0xf2: {  	v5 =	vor.u32 v3, v5;
	_ =	sdelay $0x1  }
0xf3: {  	v4 =	vshll.u32 v4, $0x3  }
0xf4: {  	v4 =	vand.u32 $0x18, v4  }
0xf5: {  	v4 =	vshll.u32 v1, v4  }
0xf6: {  	[tilespmem:v5+s13+$0x0] =	vst.idx.add.s32.msk $0xffff, v4  }
0xf7: {  	v4 =	vld [tilespmem:s23+$0x2020];
	_ =	sdelay $0x4  }
0xf8: {  	v42 =	vshll.u32 v4, $0x1  }
0xf9: {  	v43 =	vshrl.u32 v4, $0x2;
	v5 =	vand.u32 $0xFFFFFC00, v42  }
0xfa: {  	v6 =	vand.u32 $0x7F, v43;
	v5 =	vadd.s32 v2, v5  }
0xfb: {  	v5 =	vor.u32 v6, v5  }
0xfc: {  	v5 =	vor.u32 v3, v5;
	_ =	sdelay $0x1  }
0xfd: {  	v4 =	vshll.u32 v4, $0x3  }
0xfe: {  	v4 =	vand.u32 $0x18, v4  }
0xff: {  	v4 =	vshll.u32 v1, v4  }
0x100: {  	[tilespmem:v5+s13+$0x0] =	vst.idx.add.s32.msk $0xffff, v4  }
0x101: {  	v4 =	vld [tilespmem:s23+$0x2030];
	_ =	sdelay $0x4  }
0x102: {  	v44 =	vshll.u32 v4, $0x1  }
0x103: {  	v45 =	vshrl.u32 v4, $0x2;
	v5 =	vand.u32 $0xFFFFFC00, v44  }
0x104: {  	v6 =	vand.u32 $0x7F, v45;
	v5 =	vadd.s32 v2, v5  }
0x105: {  	v5 =	vor.u32 v6, v5  }
0x106: {  	v5 =	vor.u32 v3, v5;
	_ =	sdelay $0x1  }
0x107: {  	v4 =	vshll.u32 v4, $0x3  }
0x108: {  	v4 =	vand.u32 $0x18, v4  }
0x109: {  	v4 =	vshll.u32 v1, v4  }
0x10a: {  	[tilespmem:v5+s13+$0x0] =	vst.idx.add.s32.msk $0xffff, v4  }
0x10b: {  	v4 =	vld [tilespmem:s23+$0x2040];
	_ =	sdelay $0x4  }
0x10c: {  	v46 =	vshll.u32 v4, $0x1  }
0x10d: {  	v47 =	vshrl.u32 v4, $0x2;
	v5 =	vand.u32 $0xFFFFFC00, v46  }
0x10e: {  	v6 =	vand.u32 $0x7F, v47;
	v5 =	vadd.s32 v2, v5  }
0x10f: {  	v5 =	vor.u32 v6, v5  }
0x110: {  	v5 =	vor.u32 v3, v5;
	_ =	sdelay $0x1  }
0x111: {  	v4 =	vshll.u32 v4, $0x3  }
0x112: {  	v4 =	vand.u32 $0x18, v4  }
0x113: {  	v4 =	vshll.u32 v1, v4  }
0x114: {  	[tilespmem:v5+s13+$0x0] =	vst.idx.add.s32.msk $0xffff, v4  }
0x115: {  	v4 =	vld [tilespmem:s23+$0x2050];
	_ =	sdelay $0x4  }
0x116: {  	v48 =	vshll.u32 v4, $0x1  }
0x117: {  	v49 =	vshrl.u32 v4, $0x2;
	v5 =	vand.u32 $0xFFFFFC00, v48  }
0x118: {  	v6 =	vand.u32 $0x7F, v49;
	v5 =	vadd.s32 v2, v5  }
0x119: {  	v5 =	vor.u32 v6, v5  }
0x11a: {  	v5 =	vor.u32 v3, v5;
	_ =	sdelay $0x1  }
0x11b: {  	v4 =	vshll.u32 v4, $0x3  }
0x11c: {  	v4 =	vand.u32 $0x18, v4  }
0x11d: {  	v4 =	vshll.u32 v1, v4  }
0x11e: {  	[tilespmem:v5+s13+$0x0] =	vst.idx.add.s32.msk $0xffff, v4  }
0x11f: {  	v4 =	vld [tilespmem:s23+$0x2060];
	_ =	sdelay $0x4  }
0x120: {  	v50 =	vshll.u32 v4, $0x1  }
0x121: {  	v51 =	vshrl.u32 v4, $0x2;
	v5 =	vand.u32 $0xFFFFFC00, v50  }
0x122: {  	v6 =	vand.u32 $0x7F, v51;
	v5 =	vadd.s32 v2, v5  }
0x123: {  	v5 =	vor.u32 v6, v5  }
0x124: {  	v5 =	vor.u32 v3, v5;
	_ =	sdelay $0x1  }
0x125: {  	v4 =	vshll.u32 v4, $0x3  }
0x126: {  	v4 =	vand.u32 $0x18, v4  }
0x127: {  	v4 =	vshll.u32 v1, v4  }
0x128: {  	[tilespmem:v5+s13+$0x0] =	vst.idx.add.s32.msk $0xffff, v4  }
0x129: {  	v4 =	vld [tilespmem:s23+$0x2070];
	_ =	sdelay $0x4  }
0x12a: {  	v52 =	vshll.u32 v4, $0x1  }
0x12b: {  	v53 =	vshrl.u32 v4, $0x2;
	v5 =	vand.u32 $0xFFFFFC00, v52  }
0x12c: {  	v6 =	vand.u32 $0x7F, v53;
	v5 =	vadd.s32 v2, v5  }
0x12d: {  	v5 =	vor.u32 v6, v5  }
0x12e: {  	v5 =	vor.u32 v3, v5;
	_ =	sdelay $0x1  }
0x12f: {  	v4 =	vshll.u32 v4, $0x3  }
0x130: {  	v4 =	vand.u32 $0x18, v4  }
0x131: {  	v4 =	vshll.u32 v1, v4  }
0x132: {  	[tilespmem:v5+s13+$0x0] =	vst.idx.add.s32.msk $0xffff, v4  }
0x133: {  	v4 =	vld [tilespmem:s23+$0x2400];
	_ =	sdelay $0x4  }
0x134: {  	v54 =	vshll.u32 v4, $0x1  }
0x135: {  	v55 =	vshrl.u32 v4, $0x2;
	v5 =	vand.u32 $0xFFFFFC00, v54  }
0x136: {  	v6 =	vand.u32 $0x7F, v55;
	v5 =	vadd.s32 v2, v5  }
0x137: {  	v5 =	vor.u32 v6, v5  }
0x138: {  	v5 =	vor.u32 v3, v5;
	_ =	sdelay $0x1  }
0x139: {  	v4 =	vshll.u32 v4, $0x3  }
0x13a: {  	v4 =	vand.u32 $0x18, v4  }
0x13b: {  	v4 =	vshll.u32 v1, v4  }
0x13c: {  	[tilespmem:v5+s13+$0x0] =	vst.idx.add.s32.msk $0xffff, v4  }
0x13d: {  	v4 =	vld [tilespmem:s23+$0x2410];
	_ =	sdelay $0x4  }
0x13e: {  	v56 =	vshll.u32 v4, $0x1  }
0x13f: {  	v57 =	vshrl.u32 v4, $0x2;
	v5 =	vand.u32 $0xFFFFFC00, v56  }
0x140: {  	v6 =	vand.u32 $0x7F, v57;
	v5 =	vadd.s32 v2, v5  }
0x141: {  	v5 =	vor.u32 v6, v5  }
0x142: {  	v5 =	vor.u32 v3, v5;
	_ =	sdelay $0x1  }
0x143: {  	v4 =	vshll.u32 v4, $0x3  }
0x144: {  	v4 =	vand.u32 $0x18, v4  }
0x145: {  	v4 =	vshll.u32 v1, v4  }
0x146: {  	[tilespmem:v5+s13+$0x0] =	vst.idx.add.s32.msk $0xffff, v4  }
0x147: {  	v4 =	vld [tilespmem:s23+$0x2420];
	_ =	sdelay $0x4  }
0x148: {  	v58 =	vshll.u32 v4, $0x1  }
0x149: {  	v59 =	vshrl.u32 v4, $0x2;
	v5 =	vand.u32 $0xFFFFFC00, v58  }
0x14a: {  	v6 =	vand.u32 $0x7F, v59;
	v5 =	vadd.s32 v2, v5  }
0x14b: {  	v5 =	vor.u32 v6, v5  }
0x14c: {  	v5 =	vor.u32 v3, v5;
	_ =	sdelay $0x1  }
0x14d: {  	v4 =	vshll.u32 v4, $0x3  }
0x14e: {  	v4 =	vand.u32 $0x18, v4  }
0x14f: {  	v4 =	vshll.u32 v1, v4  }
0x150: {  	[tilespmem:v5+s13+$0x0] =	vst.idx.add.s32.msk $0xffff, v4  }
0x151: {  	v4 =	vld [tilespmem:s23+$0x2430];
	_ =	sdelay $0x4  }
0x152: {  	v60 =	vshll.u32 v4, $0x1  }
0x153: {  	v61 =	vshrl.u32 v4, $0x2;
	v5 =	vand.u32 $0xFFFFFC00, v60  }
0x154: {  	v6 =	vand.u32 $0x7F, v61;
	v5 =	vadd.s32 v2, v5  }
0x155: {  	v5 =	vor.u32 v6, v5  }
0x156: {  	v5 =	vor.u32 v3, v5;
	_ =	sdelay $0x1  }
0x157: {  	v4 =	vshll.u32 v4, $0x3  }
0x158: {  	v4 =	vand.u32 $0x18, v4  }
0x159: {  	v4 =	vshll.u32 v1, v4  }
0x15a: {  	[tilespmem:v5+s13+$0x0] =	vst.idx.add.s32.msk $0xffff, v4  }
0x15b: {  	v4 =	vld [tilespmem:s23+$0x2438];
	_ =	sdelay $0x4  }
0x15c: {  	v62 =	vshll.u32 v4, $0x1  }
0x15d: {  	v63 =	vshrl.u32 v4, $0x2;
	v5 =	vand.u32 $0xFFFFFC00, v62  }
0x15e: {  	v6 =	vand.u32 $0x7F, v63;
	v2 =	vadd.s32 v2, v5  }
0x15f: {  	v2 =	vor.u32 v6, v2  }
0x160: {  	p1 =	sne.s32 s22, $0x1F;
	v2 =	vor.u32 v3, v2  }
.Ltmp2:
0x161: {  	_ = 	snop;
	(pc) =	sbr.rel @p1 .LBB2_6-.Ltmp2, $4  }
0x162: {  	v3 =	vshll.u32 v4, $0x3  }
0x163: {  	v3 =	vand.u32 $0x18, v3  }
0x164: {  	v3 =	vshll.u32 v1, v3  }
0x165: {  	s21 =	sadd.s32 $0x80, s21;
	s20 =	sadd.s32 $0x100, s20;
	s22 =	sadd.s32 $0x1, s22;
	[tilespmem:v2+s13+$0x0] =	vst.idx.add.s32.msk vm0, v3  }
0x166: {  	[hbm4b:s7+s2] =	stream.linear.scatter [tilespmem:s10], [sflag:$0x2], $0x2000, $0x38;
	[tilespmem:$0x8200] =	vst v63  }
0x167: {  	s20 =	simm.s32 $0x1  }
0x168: {  	[tilespmem:s11], [sflag:$0x6] =	stream.linear.gather [hbm4b:s8+s2], $0x2000, $0x38;
	[tilespmem:$0x8200] =	vst v63  }
.LBB2_8:
0x169: {  	_ =	swait.ge [sflag:s16], $0x2000  }
0x16a: {  	[sflag:s16] =	ssyncset.done $0x0  }
0x16b: {  	[sflag:s16] =	ssyncadd.s32 $0xFFFFE000  }
0x16c: {  	[tilespmem:s13], [sflag:$0x3] =	stream.linear.gather [spmem:s1], $0x2000, $0x38;
	[tilespmem:$0x8200] =	vst v63  }
0x16d: {  	_ =	swait.ge [sflag:s17], $0x2000  }
0x16e: {  	[sflag:s17] =	ssyncset.done $0x0  }
0x16f: {  	[sflag:s17] =	ssyncadd.s32 $0xFFFFE000  }
0x170: {  	[tilespmem:s10], [sflag:$0x4] =	stream.linear.gather [spmem:s1], $0x2000, $0x38;
	[tilespmem:$0x8200] =	vst v63  }
0x171: {  	_ =	swait.ge [sflag:s18], $0x2000  }
0x172: {  	[sflag:s18] =	ssyncset.done $0x0  }
0x173: {  	[sflag:s18] =	ssyncadd.s32 $0xFFFFE000  }
0x174: {  	_ =	swait.ge [sflag:s12], $0x2000  }
0x175: {  	s21 =	simm.s32 $0x0;
	[sflag:s12] =	ssyncset.done $0x0  }
0x176: {  	s22 =	simm.s32 $0x0;
	s23 =	simm.s32 $0x0;
	[sflag:s12] =	ssyncadd.s32 $0xFFFFE000  }
.LBB2_9:
0x177: {  	s24 =	sand.u32 $0x1800, s21;
	s25 =	sand.u32 $0x380, s22  }
0x178: {  	s24 =	sor.u32 s25, s24  }
0x179: {  	v4 =	vld [tilespmem:s24+$0x0];
	_ =	sdelay $0x3  }
0x17a: {  	v3 =	vmov s23  }
0x17b: {  	v2 =	vshll.u32 v3, $0x8;
	v5 =	vshll.u32 v4, $0x1  }
0x17c: {  	v2 =	vand.u32 $0x1800, v2;
	v6 =	vshrl.u32 v4, $0x2;
	v5 =	vand.u32 $0xFFFFFC00, v5  }
0x17d: {  	v3 =	vshll.u32 v3, $0x7;
	v6 =	vand.u32 $0x7F, v6;
	v5 =	vadd.s32 v2, v5  }
0x17e: {  	v3 =	vand.u32 $0x380, v3;
	v5 =	vor.u32 v6, v5  }
0x17f: {  	v5 =	vor.u32 v3, v5;
	_ =	sdelay $0x1  }
0x180: {  	v4 =	vshll.u32 v4, $0x3  }
0x181: {  	v4 =	vand.u32 $0x18, v4  }
0x182: {  	v4 =	vshll.u32 v1, v4  }
0x183: {  	[tilespmem:v5+s13+$0x0] =	vst.idx.add.s32.msk $0xffff, v4  }
0x184: {  	v4 =	vld [tilespmem:s24+$0x10];
	_ =	sdelay $0x4  }
0x185: {  	v40 =	vshll.u32 v4, $0x1  }
0x186: {  	v41 =	vshrl.u32 v4, $0x2;
	v5 =	vand.u32 $0xFFFFFC00, v40  }
0x187: {  	v6 =	vand.u32 $0x7F, v41;
	v5 =	vadd.s32 v2, v5  }
0x188: {  	v5 =	vor.u32 v6, v5  }
0x189: {  	v5 =	vor.u32 v3, v5;
	_ =	sdelay $0x1  }
0x18a: {  	v4 =	vshll.u32 v4, $0x3  }
0x18b: {  	v4 =	vand.u32 $0x18, v4  }
0x18c: {  	v4 =	vshll.u32 v1, v4  }
0x18d: {  	[tilespmem:v5+s13+$0x0] =	vst.idx.add.s32.msk $0xffff, v4  }
0x18e: {  	v4 =	vld [tilespmem:s24+$0x20];
	_ =	sdelay $0x4  }
0x18f: {  	v42 =	vshll.u32 v4, $0x1  }
0x190: {  	v43 =	vshrl.u32 v4, $0x2;
	v5 =	vand.u32 $0xFFFFFC00, v42  }
0x191: {  	v6 =	vand.u32 $0x7F, v43;
	v5 =	vadd.s32 v2, v5  }
0x192: {  	v5 =	vor.u32 v6, v5  }
0x193: {  	v5 =	vor.u32 v3, v5;
	_ =	sdelay $0x1  }
0x194: {  	v4 =	vshll.u32 v4, $0x3  }
0x195: {  	v4 =	vand.u32 $0x18, v4  }
0x196: {  	v4 =	vshll.u32 v1, v4  }
0x197: {  	[tilespmem:v5+s13+$0x0] =	vst.idx.add.s32.msk $0xffff, v4  }
0x198: {  	v4 =	vld [tilespmem:s24+$0x30];
	_ =	sdelay $0x4  }
0x199: {  	v44 =	vshll.u32 v4, $0x1  }
0x19a: {  	v45 =	vshrl.u32 v4, $0x2;
	v5 =	vand.u32 $0xFFFFFC00, v44  }
0x19b: {  	v6 =	vand.u32 $0x7F, v45;
	v5 =	vadd.s32 v2, v5  }
0x19c: {  	v5 =	vor.u32 v6, v5  }
0x19d: {  	v5 =	vor.u32 v3, v5;
	_ =	sdelay $0x1  }
0x19e: {  	v4 =	vshll.u32 v4, $0x3  }
0x19f: {  	v4 =	vand.u32 $0x18, v4  }
0x1a0: {  	v4 =	vshll.u32 v1, v4  }
0x1a1: {  	[tilespmem:v5+s13+$0x0] =	vst.idx.add.s32.msk $0xffff, v4  }
0x1a2: {  	v4 =	vld [tilespmem:s24+$0x40];
	_ =	sdelay $0x4  }
0x1a3: {  	v46 =	vshll.u32 v4, $0x1  }
0x1a4: {  	v47 =	vshrl.u32 v4, $0x2;
	v5 =	vand.u32 $0xFFFFFC00, v46  }
0x1a5: {  	v6 =	vand.u32 $0x7F, v47;
	v5 =	vadd.s32 v2, v5  }
0x1a6: {  	v5 =	vor.u32 v6, v5  }
0x1a7: {  	v5 =	vor.u32 v3, v5;
	_ =	sdelay $0x1  }
0x1a8: {  	v4 =	vshll.u32 v4, $0x3  }
0x1a9: {  	v4 =	vand.u32 $0x18, v4  }
0x1aa: {  	v4 =	vshll.u32 v1, v4  }
0x1ab: {  	[tilespmem:v5+s13+$0x0] =	vst.idx.add.s32.msk $0xffff, v4  }
0x1ac: {  	v4 =	vld [tilespmem:s24+$0x50];
	_ =	sdelay $0x4  }
0x1ad: {  	v48 =	vshll.u32 v4, $0x1  }
0x1ae: {  	v49 =	vshrl.u32 v4, $0x2;
	v5 =	vand.u32 $0xFFFFFC00, v48  }
0x1af: {  	v6 =	vand.u32 $0x7F, v49;
	v5 =	vadd.s32 v2, v5  }
0x1b0: {  	v5 =	vor.u32 v6, v5  }
0x1b1: {  	v5 =	vor.u32 v3, v5;
	_ =	sdelay $0x1  }
0x1b2: {  	v4 =	vshll.u32 v4, $0x3  }
0x1b3: {  	v4 =	vand.u32 $0x18, v4  }
0x1b4: {  	v4 =	vshll.u32 v1, v4  }
0x1b5: {  	[tilespmem:v5+s13+$0x0] =	vst.idx.add.s32.msk $0xffff, v4  }
0x1b6: {  	v4 =	vld [tilespmem:s24+$0x60];
	_ =	sdelay $0x4  }
0x1b7: {  	v50 =	vshll.u32 v4, $0x1  }
0x1b8: {  	v51 =	vshrl.u32 v4, $0x2;
	v5 =	vand.u32 $0xFFFFFC00, v50  }
0x1b9: {  	v6 =	vand.u32 $0x7F, v51;
	v5 =	vadd.s32 v2, v5  }
0x1ba: {  	v5 =	vor.u32 v6, v5  }
0x1bb: {  	v5 =	vor.u32 v3, v5;
	_ =	sdelay $0x1  }
0x1bc: {  	v4 =	vshll.u32 v4, $0x3  }
0x1bd: {  	v4 =	vand.u32 $0x18, v4  }
0x1be: {  	v4 =	vshll.u32 v1, v4  }
0x1bf: {  	[tilespmem:v5+s13+$0x0] =	vst.idx.add.s32.msk $0xffff, v4  }
0x1c0: {  	v4 =	vld [tilespmem:s24+$0x70];
	_ =	sdelay $0x4  }
0x1c1: {  	v52 =	vshll.u32 v4, $0x1  }
0x1c2: {  	v53 =	vshrl.u32 v4, $0x2;
	v5 =	vand.u32 $0xFFFFFC00, v52  }
0x1c3: {  	v6 =	vand.u32 $0x7F, v53;
	v5 =	vadd.s32 v2, v5  }
0x1c4: {  	v5 =	vor.u32 v6, v5  }
0x1c5: {  	v5 =	vor.u32 v3, v5;
	_ =	sdelay $0x1  }
0x1c6: {  	v4 =	vshll.u32 v4, $0x3  }
0x1c7: {  	v4 =	vand.u32 $0x18, v4  }
0x1c8: {  	v4 =	vshll.u32 v1, v4  }
0x1c9: {  	[tilespmem:v5+s13+$0x0] =	vst.idx.add.s32.msk $0xffff, v4  }
0x1ca: {  	v4 =	vld [tilespmem:s24+$0x400];
	_ =	sdelay $0x4  }
0x1cb: {  	v54 =	vshll.u32 v4, $0x1  }
0x1cc: {  	v55 =	vshrl.u32 v4, $0x2;
	v5 =	vand.u32 $0xFFFFFC00, v54  }
0x1cd: {  	v6 =	vand.u32 $0x7F, v55;
	v5 =	vadd.s32 v2, v5  }
0x1ce: {  	v5 =	vor.u32 v6, v5  }
0x1cf: {  	v5 =	vor.u32 v3, v5;
	_ =	sdelay $0x1  }
0x1d0: {  	v4 =	vshll.u32 v4, $0x3  }
0x1d1: {  	v4 =	vand.u32 $0x18, v4  }
0x1d2: {  	v4 =	vshll.u32 v1, v4  }
0x1d3: {  	[tilespmem:v5+s13+$0x0] =	vst.idx.add.s32.msk $0xffff, v4  }
0x1d4: {  	v4 =	vld [tilespmem:s24+$0x410];
	_ =	sdelay $0x4  }
0x1d5: {  	v56 =	vshll.u32 v4, $0x1  }
0x1d6: {  	v57 =	vshrl.u32 v4, $0x2;
	v5 =	vand.u32 $0xFFFFFC00, v56  }
0x1d7: {  	v6 =	vand.u32 $0x7F, v57;
	v5 =	vadd.s32 v2, v5  }
0x1d8: {  	v5 =	vor.u32 v6, v5  }
0x1d9: {  	v5 =	vor.u32 v3, v5;
	_ =	sdelay $0x1  }
0x1da: {  	v4 =	vshll.u32 v4, $0x3  }
0x1db: {  	v4 =	vand.u32 $0x18, v4  }
0x1dc: {  	v4 =	vshll.u32 v1, v4  }
0x1dd: {  	[tilespmem:v5+s13+$0x0] =	vst.idx.add.s32.msk $0xffff, v4  }
0x1de: {  	v4 =	vld [tilespmem:s24+$0x420];
	_ =	sdelay $0x4  }
0x1df: {  	v58 =	vshll.u32 v4, $0x1  }
0x1e0: {  	v59 =	vshrl.u32 v4, $0x2;
	v5 =	vand.u32 $0xFFFFFC00, v58  }
0x1e1: {  	v6 =	vand.u32 $0x7F, v59;
	v5 =	vadd.s32 v2, v5  }
0x1e2: {  	v5 =	vor.u32 v6, v5  }
0x1e3: {  	v5 =	vor.u32 v3, v5;
	_ =	sdelay $0x1  }
0x1e4: {  	v4 =	vshll.u32 v4, $0x3  }
0x1e5: {  	v4 =	vand.u32 $0x18, v4  }
0x1e6: {  	v4 =	vshll.u32 v1, v4  }
0x1e7: {  	[tilespmem:v5+s13+$0x0] =	vst.idx.add.s32.msk $0xffff, v4  }
0x1e8: {  	v4 =	vld [tilespmem:s24+$0x430];
	_ =	sdelay $0x4  }
0x1e9: {  	v60 =	vshll.u32 v4, $0x1  }
0x1ea: {  	v61 =	vshrl.u32 v4, $0x2;
	v5 =	vand.u32 $0xFFFFFC00, v60  }
0x1eb: {  	v6 =	vand.u32 $0x7F, v61;
	v5 =	vadd.s32 v2, v5  }
0x1ec: {  	v5 =	vor.u32 v6, v5  }
0x1ed: {  	v5 =	vor.u32 v3, v5;
	_ =	sdelay $0x1  }
0x1ee: {  	v4 =	vshll.u32 v4, $0x3  }
0x1ef: {  	v4 =	vand.u32 $0x18, v4  }
0x1f0: {  	v4 =	vshll.u32 v1, v4  }
0x1f1: {  	[tilespmem:v5+s13+$0x0] =	vst.idx.add.s32.msk $0xffff, v4  }
0x1f2: {  	v4 =	vld [tilespmem:s24+$0x438];
	_ =	sdelay $0x4  }
0x1f3: {  	v62 =	vshll.u32 v4, $0x1  }
0x1f4: {  	v63 =	vshrl.u32 v4, $0x2;
	v5 =	vand.u32 $0xFFFFFC00, v62  }
0x1f5: {  	v6 =	vand.u32 $0x7F, v63;
	v2 =	vadd.s32 v2, v5  }
0x1f6: {  	v2 =	vor.u32 v6, v2  }
0x1f7: {  	p1 =	sne.s32 s23, $0x1F;
	v2 =	vor.u32 v3, v2  }
.Ltmp3:
0x1f8: {  	_ = 	snop;
	(pc) =	sbr.rel @p1 .LBB2_9-.Ltmp3, $4  }
0x1f9: {  	v3 =	vshll.u32 v4, $0x3  }
0x1fa: {  	v3 =	vand.u32 $0x18, v3  }
0x1fb: {  	v3 =	vshll.u32 v1, v3  }
0x1fc: {  	s22 =	sadd.s32 $0x80, s22;
	s21 =	sadd.s32 $0x100, s21;
	s23 =	sadd.s32 $0x1, s23;
	[tilespmem:v2+s13+$0x0] =	vst.idx.add.s32.msk vm0, v3  }
0x1fd: {  	s22 =	sshll.u32 s20, $0xB;
	s21 =	sshll.u32 s20, $0x1  }
0x1fe: {  	s23 =	simm.s32 $0x0;
	s24 =	sadd.s32 s22, s5;
	s31 =	smin.u32 s21, $0xD  }
0x1ff: {  	[hbm4b:s24+s23] =	stream.linear.scatter [tilespmem:s13], [sflag:$0x1], $0x2000, $0x38;
	[tilespmem:$0x8200] =	vst v63  }
0x200: {  	s24 =	sshll.u32 s31, $0xA  }
0x201: {  	s24 =	sadd.s32 s24, s6  }
0x202: {  	[tilespmem:s23], [sflag:$0x5] =	stream.linear.gather [hbm4b:s24+s23], $0x2000, $0x38;
	[tilespmem:$0x8200] =	vst v63  }
0x203: {  	_ =	swait.ge [sflag:s14], $0x2000  }
0x204: {  	[sflag:s14] =	ssyncset.done $0x0  }
0x205: {  	[sflag:s14] =	ssyncadd.s32 $0xFFFFE000  }
0x206: {  	_ =	swait.ge [sflag:s15], $0x2000  }
0x207: {  	[sflag:s15] =	ssyncset.done $0x0  }
0x208: {  	s25 =	simm.s32 $0x0;
	s24 =	simm.s32 $0x0;
	[sflag:s15] =	ssyncadd.s32 $0xFFFFE000  }
.LBB2_11:
0x209: {  	s26 =	sand.u32 $0x1800, s23;
	s28 =	sand.u32 $0x380, s24  }
0x20a: {  	s26 =	sor.u32 s28, s26  }
0x20b: {  	v4 =	vld [tilespmem:s26+$0x2000];
	_ =	sdelay $0x2  }
0x20c: {  	v3 =	vmov s25  }
0x20d: {  	v2 =	vshll.u32 v3, $0x8  }
0x20e: {  	v2 =	vand.u32 $0x1800, v2;
	v5 =	vshll.u32 v4, $0x1  }
0x20f: {  	v2 =	vor.u32 $0x2000, v2;
	v6 =	vshrl.u32 v4, $0x2;
	v5 =	vand.u32 $0xFFFFFC00, v5  }
0x210: {  	v3 =	vshll.u32 v3, $0x7;
	v6 =	vand.u32 $0x7F, v6;
	v5 =	vadd.s32 v2, v5  }
0x211: {  	v3 =	vand.u32 $0x380, v3;
	v5 =	vor.u32 v6, v5  }
0x212: {  	v5 =	vor.u32 v3, v5;
	_ =	sdelay $0x1  }
0x213: {  	v4 =	vshll.u32 v4, $0x3  }
0x214: {  	v4 =	vand.u32 $0x18, v4  }
0x215: {  	v4 =	vshll.u32 v1, v4  }
0x216: {  	[tilespmem:v5+s13+$0x0] =	vst.idx.add.s32.msk $0xffff, v4  }
0x217: {  	v4 =	vld [tilespmem:s26+$0x2010];
	_ =	sdelay $0x4  }
0x218: {  	v40 =	vshll.u32 v4, $0x1  }
0x219: {  	v41 =	vshrl.u32 v4, $0x2;
	v5 =	vand.u32 $0xFFFFFC00, v40  }
0x21a: {  	v6 =	vand.u32 $0x7F, v41;
	v5 =	vadd.s32 v2, v5  }
0x21b: {  	v5 =	vor.u32 v6, v5  }
0x21c: {  	v5 =	vor.u32 v3, v5;
	_ =	sdelay $0x1  }
0x21d: {  	v4 =	vshll.u32 v4, $0x3  }
0x21e: {  	v4 =	vand.u32 $0x18, v4  }
0x21f: {  	v4 =	vshll.u32 v1, v4  }
0x220: {  	[tilespmem:v5+s13+$0x0] =	vst.idx.add.s32.msk $0xffff, v4  }
0x221: {  	v4 =	vld [tilespmem:s26+$0x2020];
	_ =	sdelay $0x4  }
0x222: {  	v42 =	vshll.u32 v4, $0x1  }
0x223: {  	v43 =	vshrl.u32 v4, $0x2;
	v5 =	vand.u32 $0xFFFFFC00, v42  }
0x224: {  	v6 =	vand.u32 $0x7F, v43;
	v5 =	vadd.s32 v2, v5  }
0x225: {  	v5 =	vor.u32 v6, v5  }
0x226: {  	v5 =	vor.u32 v3, v5;
	_ =	sdelay $0x1  }
0x227: {  	v4 =	vshll.u32 v4, $0x3  }
0x228: {  	v4 =	vand.u32 $0x18, v4  }
0x229: {  	v4 =	vshll.u32 v1, v4  }
0x22a: {  	[tilespmem:v5+s13+$0x0] =	vst.idx.add.s32.msk $0xffff, v4  }
0x22b: {  	v4 =	vld [tilespmem:s26+$0x2030];
	_ =	sdelay $0x4  }
0x22c: {  	v44 =	vshll.u32 v4, $0x1  }
0x22d: {  	v45 =	vshrl.u32 v4, $0x2;
	v5 =	vand.u32 $0xFFFFFC00, v44  }
0x22e: {  	v6 =	vand.u32 $0x7F, v45;
	v5 =	vadd.s32 v2, v5  }
0x22f: {  	v5 =	vor.u32 v6, v5  }
0x230: {  	v5 =	vor.u32 v3, v5;
	_ =	sdelay $0x1  }
0x231: {  	v4 =	vshll.u32 v4, $0x3  }
0x232: {  	v4 =	vand.u32 $0x18, v4  }
0x233: {  	v4 =	vshll.u32 v1, v4  }
0x234: {  	[tilespmem:v5+s13+$0x0] =	vst.idx.add.s32.msk $0xffff, v4  }
0x235: {  	v4 =	vld [tilespmem:s26+$0x2040];
	_ =	sdelay $0x4  }
0x236: {  	v46 =	vshll.u32 v4, $0x1  }
0x237: {  	v47 =	vshrl.u32 v4, $0x2;
	v5 =	vand.u32 $0xFFFFFC00, v46  }
0x238: {  	v6 =	vand.u32 $0x7F, v47;
	v5 =	vadd.s32 v2, v5  }
0x239: {  	v5 =	vor.u32 v6, v5  }
0x23a: {  	v5 =	vor.u32 v3, v5;
	_ =	sdelay $0x1  }
0x23b: {  	v4 =	vshll.u32 v4, $0x3  }
0x23c: {  	v4 =	vand.u32 $0x18, v4  }
0x23d: {  	v4 =	vshll.u32 v1, v4  }
0x23e: {  	[tilespmem:v5+s13+$0x0] =	vst.idx.add.s32.msk $0xffff, v4  }
0x23f: {  	v4 =	vld [tilespmem:s26+$0x2050];
	_ =	sdelay $0x4  }
0x240: {  	v48 =	vshll.u32 v4, $0x1  }
0x241: {  	v49 =	vshrl.u32 v4, $0x2;
	v5 =	vand.u32 $0xFFFFFC00, v48  }
0x242: {  	v6 =	vand.u32 $0x7F, v49;
	v5 =	vadd.s32 v2, v5  }
0x243: {  	v5 =	vor.u32 v6, v5  }
0x244: {  	v5 =	vor.u32 v3, v5;
	_ =	sdelay $0x1  }
0x245: {  	v4 =	vshll.u32 v4, $0x3  }
0x246: {  	v4 =	vand.u32 $0x18, v4  }
0x247: {  	v4 =	vshll.u32 v1, v4  }
0x248: {  	[tilespmem:v5+s13+$0x0] =	vst.idx.add.s32.msk $0xffff, v4  }
0x249: {  	v4 =	vld [tilespmem:s26+$0x2060];
	_ =	sdelay $0x4  }
0x24a: {  	v50 =	vshll.u32 v4, $0x1  }
0x24b: {  	v51 =	vshrl.u32 v4, $0x2;
	v5 =	vand.u32 $0xFFFFFC00, v50  }
0x24c: {  	v6 =	vand.u32 $0x7F, v51;
	v5 =	vadd.s32 v2, v5  }
0x24d: {  	v5 =	vor.u32 v6, v5  }
0x24e: {  	v5 =	vor.u32 v3, v5;
	_ =	sdelay $0x1  }
0x24f: {  	v4 =	vshll.u32 v4, $0x3  }
0x250: {  	v4 =	vand.u32 $0x18, v4  }
0x251: {  	v4 =	vshll.u32 v1, v4  }
0x252: {  	[tilespmem:v5+s13+$0x0] =	vst.idx.add.s32.msk $0xffff, v4  }
0x253: {  	v4 =	vld [tilespmem:s26+$0x2070];
	_ =	sdelay $0x4  }
0x254: {  	v52 =	vshll.u32 v4, $0x1  }
0x255: {  	v53 =	vshrl.u32 v4, $0x2;
	v5 =	vand.u32 $0xFFFFFC00, v52  }
0x256: {  	v6 =	vand.u32 $0x7F, v53;
	v5 =	vadd.s32 v2, v5  }
0x257: {  	v5 =	vor.u32 v6, v5  }
0x258: {  	v5 =	vor.u32 v3, v5;
	_ =	sdelay $0x1  }
0x259: {  	v4 =	vshll.u32 v4, $0x3  }
0x25a: {  	v4 =	vand.u32 $0x18, v4  }
0x25b: {  	v4 =	vshll.u32 v1, v4  }
0x25c: {  	[tilespmem:v5+s13+$0x0] =	vst.idx.add.s32.msk $0xffff, v4  }
0x25d: {  	v4 =	vld [tilespmem:s26+$0x2400];
	_ =	sdelay $0x4  }
0x25e: {  	v54 =	vshll.u32 v4, $0x1  }
0x25f: {  	v55 =	vshrl.u32 v4, $0x2;
	v5 =	vand.u32 $0xFFFFFC00, v54  }
0x260: {  	v6 =	vand.u32 $0x7F, v55;
	v5 =	vadd.s32 v2, v5  }
0x261: {  	v5 =	vor.u32 v6, v5  }
0x262: {  	v5 =	vor.u32 v3, v5;
	_ =	sdelay $0x1  }
0x263: {  	v4 =	vshll.u32 v4, $0x3  }
0x264: {  	v4 =	vand.u32 $0x18, v4  }
0x265: {  	v4 =	vshll.u32 v1, v4  }
0x266: {  	[tilespmem:v5+s13+$0x0] =	vst.idx.add.s32.msk $0xffff, v4  }
0x267: {  	v4 =	vld [tilespmem:s26+$0x2410];
	_ =	sdelay $0x4  }
0x268: {  	v56 =	vshll.u32 v4, $0x1  }
0x269: {  	v57 =	vshrl.u32 v4, $0x2;
	v5 =	vand.u32 $0xFFFFFC00, v56  }
0x26a: {  	v6 =	vand.u32 $0x7F, v57;
	v5 =	vadd.s32 v2, v5  }
0x26b: {  	v5 =	vor.u32 v6, v5  }
0x26c: {  	v5 =	vor.u32 v3, v5;
	_ =	sdelay $0x1  }
0x26d: {  	v4 =	vshll.u32 v4, $0x3  }
0x26e: {  	v4 =	vand.u32 $0x18, v4  }
0x26f: {  	v4 =	vshll.u32 v1, v4  }
0x270: {  	[tilespmem:v5+s13+$0x0] =	vst.idx.add.s32.msk $0xffff, v4  }
0x271: {  	v4 =	vld [tilespmem:s26+$0x2420];
	_ =	sdelay $0x4  }
0x272: {  	v58 =	vshll.u32 v4, $0x1  }
0x273: {  	v59 =	vshrl.u32 v4, $0x2;
	v5 =	vand.u32 $0xFFFFFC00, v58  }
0x274: {  	v6 =	vand.u32 $0x7F, v59;
	v5 =	vadd.s32 v2, v5  }
0x275: {  	v5 =	vor.u32 v6, v5  }
0x276: {  	v5 =	vor.u32 v3, v5;
	_ =	sdelay $0x1  }
0x277: {  	v4 =	vshll.u32 v4, $0x3  }
0x278: {  	v4 =	vand.u32 $0x18, v4  }
0x279: {  	v4 =	vshll.u32 v1, v4  }
0x27a: {  	[tilespmem:v5+s13+$0x0] =	vst.idx.add.s32.msk $0xffff, v4  }
0x27b: {  	v4 =	vld [tilespmem:s26+$0x2430];
	_ =	sdelay $0x4  }
0x27c: {  	v60 =	vshll.u32 v4, $0x1  }
0x27d: {  	v61 =	vshrl.u32 v4, $0x2;
	v5 =	vand.u32 $0xFFFFFC00, v60  }
0x27e: {  	v6 =	vand.u32 $0x7F, v61;
	v5 =	vadd.s32 v2, v5  }
0x27f: {  	v5 =	vor.u32 v6, v5  }
0x280: {  	v5 =	vor.u32 v3, v5;
	_ =	sdelay $0x1  }
0x281: {  	v4 =	vshll.u32 v4, $0x3  }
0x282: {  	v4 =	vand.u32 $0x18, v4  }
0x283: {  	v4 =	vshll.u32 v1, v4  }
0x284: {  	[tilespmem:v5+s13+$0x0] =	vst.idx.add.s32.msk $0xffff, v4  }
0x285: {  	v4 =	vld [tilespmem:s26+$0x2438];
	_ =	sdelay $0x4  }
0x286: {  	v62 =	vshll.u32 v4, $0x1  }
0x287: {  	v63 =	vshrl.u32 v4, $0x2;
	v5 =	vand.u32 $0xFFFFFC00, v62  }
0x288: {  	v6 =	vand.u32 $0x7F, v63;
	v2 =	vadd.s32 v2, v5  }
0x289: {  	v2 =	vor.u32 v6, v2  }
0x28a: {  	p1 =	sne.s32 s25, $0x1F;
	v2 =	vor.u32 v3, v2  }
.Ltmp4:
0x28b: {  	_ = 	snop;
	(pc) =	sbr.rel @p1 .LBB2_11-.Ltmp4, $4  }
0x28c: {  	v3 =	vshll.u32 v4, $0x3  }
0x28d: {  	v3 =	vand.u32 $0x18, v3  }
0x28e: {  	v3 =	vshll.u32 v1, v3  }
0x28f: {  	s24 =	sadd.s32 $0x80, s24;
	s23 =	sadd.s32 $0x100, s23;
	s25 =	sadd.s32 $0x1, s25;
	[tilespmem:v2+s13+$0x0] =	vst.idx.add.s32.msk vm0, v3  }
0x290: {  	s20 =	sadd.s32 $0x1, s20  }
0x291: {  	p1 =	sne.s32 s20, $0x8  }
.Ltmp5:
0x292: {  	s22 =	sadd.s32 s7, s22;
	s21 =	smin.u32 s21, $0xC;
	(pc) =	sbr.rel @p1 .LBB2_8-.Ltmp5, $4  }
0x293: {  	[hbm4b:s22+s2] =	stream.linear.scatter [tilespmem:s10], [sflag:$0x2], $0x2000, $0x38;
	[tilespmem:$0x8200] =	vst v63  }
0x294: {  	s21 =	sshll.u32 s21, $0xA  }
0x295: {  	s21 =	sadd.s32 s21, s8  }
0x296: {  	[tilespmem:s11], [sflag:$0x6] =	stream.linear.gather [hbm4b:s21+s2], $0x2000, $0x38;
	[tilespmem:$0x8200] =	vst v63  }
0x297: {  	s19 =	sadd.s32 $0x1, s19  }
0x298: {  	_ =	swait.ge [sflag:s16], $0x2000;
	p1 =	sne.s32 s19, s9  }
.Ltmp6:
0x299: {  	[sflag:s16] =	ssyncset.done $0x0;
	(pc) =	sbr.rel @p1 .LBB2_1-.Ltmp6, $4  }
0x29a: {  	[sflag:s16] =	ssyncadd.s32 $0xFFFFE000  }
0x29b: {  	_ =	swait.ge [sflag:s17], $0x2000  }
0x29c: {  	[sflag:s17] =	ssyncset.done $0x0  }
0x29d: {  	[sflag:s17] =	ssyncadd.s32 $0xFFFFE000  }
0x29e: {  	_ =	sfence.sel $0x180000  }
0x29f: {  	[bflag:$0x0] =	sbarrier.arrive $0xFFFF  }
0x2a0: {  	_ =	strace $0x90000047  }
0x2a1: {  	s0 =	sadd.s32 @!p0 $0x100000, s0;
	[bflag:$0x2] =	sbarrier.arrive $0xFFFF  }
0x2a2: {  	[sflag:s0] =	ssyncadd.tile.s32 @!p0 $0x1;
	_ =	shalt  }
.Lfunc_end2:
_tile_overlayer_lowered:
.L_overlay_start_2:
0x2a3: {  	(tag) =	ssettag $0x2  }
0x2a4: {  	s0 =	rddreg [dreg:$0x0];
	s2 =	stileid.u32  }
0x2a5: {  	s1 =	rddreg [dreg:$0x1];
	p0 =	sne.s32 s2, $0x0  }
0x2a6: {  	s3 =	rddreg [dreg:$0x2];
	[bflag:$0x3] =	sbarrier.arrive $0xFFFF;
	s2 =	simm.s32 @!p0 $0x1C07  }
0x2a7: {  	[timem:s3], [sflag:s2] =	dma.local @!p0 [hbm:s0], s1  }
0x2a8: {  	s0 =	simm.s32 @!p0 $0x7  }
0x2a9: {  	_ =	swait.ge @!p0 [sflag:s0], s1  }
0x2aa: {  	s1 =	ssub.s32 @!p0 $0x0, s1;
	[sflag:s0] =	ssyncset.done @!p0 $0x0  }
0x2ab: {  	[sflag:s0] =	ssyncadd.s32 @!p0 s1  }
0x2ac: {  	[bflag:$0x3] =	sbarrier.arrive $0xFFFF  }
0x2ad: {  	_ =	shalt  }

</sc_bundles>
